<compile_context>
chip_gen: v7x
topology: tpu7x:2x2x1
jax: 0.10.2.dev20260603
libtpu: 0.0.44.dev20260713+nightly
codegen_flags: <defaults>
</compile_context>

<pallas_src>
import functools

import jax
import jax.numpy as jnp
from jax import lax
from jax.experimental import pallas as pl
from jax.experimental.pallas import tpu as pltpu
from jax.experimental.pallas import tpu_sc as plsc

CH = 128
N_USER = 10000
N_ITEM = 10000
E = 320000
N_SEED = 1024

N_TILES = 16
EDGES_PER_TILE = E // N_TILES
CHUNK = 80
N_CHUNKS = EDGES_PER_TILE // CHUNK
ROWS_PAD = 10112
ROWS_PER_TILE = ROWS_PAD // N_TILES

BLK = 1000
HIGH = lax.Precision.HIGHEST



def _enc_body(x_ref, t_ref, b_ref, seed_ref, div_ref, we_ref, wo_ref, bt_ref, o_ref):
    b = b_ref[...]
    iot = lax.broadcasted_iota(jnp.int32, (1, N_SEED), 1)
    onehot = b == iot
    rel = jnp.sum(jnp.where(onehot, seed_ref[...], 0.0), axis=1, keepdims=True)
    rel = rel - t_ref[...]
    ang = rel * div_ref[...]
    o_ref[...] = (x_ref[...] + bt_ref[0]
                  + lax.dot(jnp.sin(ang), we_ref[0], precision=HIGH)
                  + lax.dot(jnp.cos(ang), wo_ref[0], precision=HIGH))


def _encode(x_cat, t_cat, b_cat, seed2d, div2d, we, wo, bt):
    n = x_cat.shape[0]
    grid = (n // BLK,)
    half = n // (2 * BLK)
    return pl.pallas_call(
        _enc_body,
        grid=grid,
        in_specs=[
            pl.BlockSpec((BLK, CH), lambda i: (i, 0)),
            pl.BlockSpec((BLK, 1), lambda i: (i, 0)),
            pl.BlockSpec((BLK, 1), lambda i: (i, 0)),
            pl.BlockSpec((1, N_SEED), lambda i: (0, 0)),
            pl.BlockSpec((1, CH // 2), lambda i: (0, 0)),
            pl.BlockSpec((1, CH // 2, CH), lambda i: (i // half, 0, 0)),
            pl.BlockSpec((1, CH // 2, CH), lambda i: (i // half, 0, 0)),
            pl.BlockSpec((1, 1, CH), lambda i: (i // half, 0, 0)),
        ],
        out_specs=pl.BlockSpec((BLK, CH), lambda i: (i, 0)),
        out_shape=jax.ShapeDtypeStruct((n, CH), jnp.float32),
    )(x_cat, t_cat, b_cat, seed2d, div2d, we, wo, bt)



def _combine_body(sum_ref, cnt_ref, h_ref, wl_ref, wr_ref, b_ref, o_ref, *, relu):
    mean = sum_ref[...] / jnp.maximum(cnt_ref[...], 1.0)
    out = (lax.dot(mean, wl_ref[0], precision=HIGH)
           + lax.dot(h_ref[...], wr_ref[0], precision=HIGH)
           + b_ref[0])
    o_ref[...] = jnp.maximum(out, 0.0) if relu else out


def _combine(sum_cat, cnt_cat, h_cat, wl, wr, b, relu):
    n = sum_cat.shape[0]
    grid = (n // BLK,)
    half = n // (2 * BLK)
    return pl.pallas_call(
        functools.partial(_combine_body, relu=relu),
        grid=grid,
        in_specs=[
            pl.BlockSpec((BLK, CH), lambda i: (i, 0)),
            pl.BlockSpec((BLK, 1), lambda i: (i, 0)),
            pl.BlockSpec((BLK, CH), lambda i: (i, 0)),
            pl.BlockSpec((1, CH, CH), lambda i: (i // half, 0, 0)),
            pl.BlockSpec((1, CH, CH), lambda i: (i // half, 0, 0)),
            pl.BlockSpec((1, 1, CH), lambda i: (i // half, 0, 0)),
        ],
        out_specs=pl.BlockSpec((BLK, CH), lambda i: (i, 0)),
        out_shape=jax.ShapeDtypeStruct((n, CH), jnp.float32),
    )(sum_cat, cnt_cat, h_cat, wl, wr, b)



def _agg_body(tabs, src_h, dst_h, zf, out_sum, src_a, dst_a, src_b, dst_b,
              rows0, rows1, acc, gsem0, gsem1, isem0, isem1):
    c = lax.axis_index("c")
    s = lax.axis_index("s")
    r0 = s * ROWS_PER_TILE
    pltpu.sync_copy(zf.at[pl.ds(r0, ROWS_PER_TILE)],
                    acc.at[pl.ds(r0, ROWS_PER_TILE)])
    plsc.subcore_barrier()

    tab = tabs.at[c]
    ebase = c * E + s * EDGES_PER_TILE

    def loop_body(jj, carry):
        off0 = ebase + (2 * jj) * CHUNK
        off1 = off0 + CHUNK
        ia = pltpu.async_copy(src_h.at[pl.ds(off0, CHUNK)], src_a, isem0)
        ib = pltpu.async_copy(dst_h.at[pl.ds(off0, CHUNK)], dst_a, isem0)
        ic = pltpu.async_copy(src_h.at[pl.ds(off1, CHUNK)], src_b, isem1)
        idd = pltpu.async_copy(dst_h.at[pl.ds(off1, CHUNK)], dst_b, isem1)
        ia.wait()
        g0 = pltpu.async_copy(tab.at[src_a], rows0, gsem0)
        ic.wait()
        g1 = pltpu.async_copy(tab.at[src_b], rows1, gsem1)
        g0.wait()
        ib.wait()
        pltpu.sync_copy(rows0, acc.at[dst_a], add=True)
        g1.wait()
        idd.wait()
        pltpu.sync_copy(rows1, acc.at[dst_b], add=True)
        return carry

    lax.fori_loop(0, N_CHUNKS // 2, loop_body, 0)

    plsc.subcore_barrier()
    pltpu.sync_copy(acc.at[pl.ds(r0, ROWS_PER_TILE)],
                    out_sum.at[c, pl.ds(r0, ROWS_PER_TILE)])


_agg = pl.kernel(
    _agg_body,
    out_type=jax.ShapeDtypeStruct((2, ROWS_PAD, CH), jnp.float32),
    mesh=plsc.VectorSubcoreMesh(core_axis_name="c", subcore_axis_name="s"),
    scratch_types=[
        pltpu.VMEM((CHUNK,), jnp.int32),
        pltpu.VMEM((CHUNK,), jnp.int32),
        pltpu.VMEM((CHUNK,), jnp.int32),
        pltpu.VMEM((CHUNK,), jnp.int32),
        pltpu.VMEM((CHUNK, CH), jnp.float32),
        pltpu.VMEM((CHUNK, CH), jnp.float32),
        pltpu.VMEM_SHARED((ROWS_PAD, CH), jnp.float32),
        pltpu.SemaphoreType.DMA,
        pltpu.SemaphoreType.DMA,
        pltpu.SemaphoreType.DMA,
        pltpu.SemaphoreType.DMA,
    ],
)



def _cnt_body(dst_h, zf, ones_h, out_sum, dst_a, dst_b, rows0, acc,
              isem0, isem1):
    c = lax.axis_index("c")
    s = lax.axis_index("s")
    r0 = s * ROWS_PER_TILE
    pltpu.sync_copy(zf.at[pl.ds(r0, ROWS_PER_TILE)],
                    acc.at[pl.ds(r0, ROWS_PER_TILE)])
    pltpu.sync_copy(ones_h, rows0)
    plsc.subcore_barrier()

    ebase = c * E + s * EDGES_PER_TILE

    def loop_body(jj, carry):
        off0 = ebase + (2 * jj) * CHUNK
        off1 = off0 + CHUNK
        ia = pltpu.async_copy(dst_h.at[pl.ds(off0, CHUNK)], dst_a, isem0)
        ib = pltpu.async_copy(dst_h.at[pl.ds(off1, CHUNK)], dst_b, isem1)
        ia.wait()
        pltpu.sync_copy(rows0, acc.at[dst_a], add=True)
        ib.wait()
        pltpu.sync_copy(rows0, acc.at[dst_b], add=True)
        return carry

    lax.fori_loop(0, N_CHUNKS // 2, loop_body, 0)

    plsc.subcore_barrier()
    pltpu.sync_copy(acc.at[pl.ds(r0, ROWS_PER_TILE)],
                    out_sum.at[c, pl.ds(r0, ROWS_PER_TILE)])


_cnt = pl.kernel(
    _cnt_body,
    out_type=jax.ShapeDtypeStruct((2, ROWS_PAD, CH), jnp.float32),
    mesh=plsc.VectorSubcoreMesh(core_axis_name="c", subcore_axis_name="s"),
    scratch_types=[
        pltpu.VMEM((CHUNK,), jnp.int32),
        pltpu.VMEM((CHUNK,), jnp.int32),
        pltpu.VMEM((CHUNK, CH), jnp.float32),
        pltpu.VMEM_SHARED((ROWS_PAD, CH), jnp.float32),
        pltpu.SemaphoreType.DMA,
        pltpu.SemaphoreType.DMA,
    ],
)



def kernel(x_user, x_item, time_user, time_item, seed_time, edge_index_u2i,
           edge_index_i2u, batch_user, batch_item, Wt_user, bt_user, Wt_item,
           bt_item, Wl0_u2i, Wr0_u2i, b0_u2i, Wl0_i2u, Wr0_i2u, b0_i2u,
           Wl1_u2i, Wr1_u2i, b1_u2i, Wl1_i2u, Wr1_i2u, b1_i2u):
    ei_u = edge_index_u2i.astype(jnp.int32)
    ei_i = edge_index_i2u.astype(jnp.int32)
    src_all = jnp.concatenate([ei_u[0], ei_i[0]])
    dst_all = jnp.concatenate([ei_u[1], ei_i[1]])
    zf = jnp.zeros((ROWS_PAD, CH), jnp.float32)

    x_cat = jnp.concatenate([x_user, x_item], axis=0)
    t_cat = jnp.concatenate([time_user, time_item]).reshape(-1, 1)
    b_cat = jnp.concatenate([batch_user, batch_item]).astype(jnp.int32).reshape(-1, 1)
    seed2d = seed_time.reshape(1, N_SEED)
    i_half = jnp.arange(CH // 2, dtype=jnp.float32)
    div2d = jnp.exp(-jnp.log(10000.0) * (2.0 * i_half) / CH).reshape(1, CH // 2)
    we = jnp.stack([Wt_user[:, 0::2].T, Wt_item[:, 0::2].T])
    wo = jnp.stack([Wt_user[:, 1::2].T, Wt_item[:, 1::2].T])
    bt = jnp.stack([bt_user.reshape(1, CH), bt_item.reshape(1, CH)])
    h_cat = _encode(x_cat, t_cat, b_cat, seed2d, div2d, we, wo, bt)

    ones_h = jnp.ones((CHUNK, CH), jnp.float32)
    cnts = _cnt(dst_all, zf, ones_h)
    cnt_cat = jnp.concatenate([cnts[1, :N_USER, 0:1], cnts[0, :N_ITEM, 0:1]], axis=0)

    sums0 = _agg(h_cat.reshape(2, N_USER, CH), src_all, dst_all, zf)
    sum_cat0 = jnp.concatenate([sums0[1, :N_USER], sums0[0, :N_ITEM]], axis=0)
    wl0 = jnp.stack([Wl0_i2u.T, Wl0_u2i.T])
    wr0 = jnp.stack([Wr0_i2u.T, Wr0_u2i.T])
    b0 = jnp.stack([b0_i2u.reshape(1, CH), b0_u2i.reshape(1, CH)])
    relu_cat = _combine(sum_cat0, cnt_cat, h_cat, wl0, wr0, b0, relu=True)

    sums1 = _agg(relu_cat.reshape(2, N_USER, CH), src_all, dst_all, zf)
    sum_cat1 = jnp.concatenate([sums1[1, :N_USER], sums1[0, :N_ITEM]], axis=0)
    wl1 = jnp.stack([Wl1_i2u.T, Wl1_u2i.T])
    wr1 = jnp.stack([Wr1_i2u.T, Wr1_u2i.T])
    b1 = jnp.stack([b1_i2u.reshape(1, CH), b1_u2i.reshape(1, CH)])
    out_cat = _combine(sum_cat1, cnt_cat, relu_cat, wl1, wr1, b1, relu=False)
    return (out_cat[:N_USER], out_cat[N_USER:])

# --- scband reference (transcript-rebuilt; emitter-appended) ---
"""Pipeline reference for scband-heterogeneous-gnn-30975304139126 (READ-ONLY COPY).

The authoritative reference and input builder live on the scoring server;
editing this copy changes nothing except your own understanding.
"""

import jax, jax.numpy as jnp
import numpy as np

CH = 128
N_USER = 10000
N_ITEM = 10000
E = 320000
N_SEED = 1024


def positional_encoding(t, channels):
    i = jnp.arange(channels // 2)
    div = jnp.exp(-jnp.log(10000.0) * (2.0 * i) / channels)
    ang = t[:, None] * div[None, :]
    pe = jnp.zeros((t.shape[0], channels), dtype=jnp.float32)
    pe = pe.at[:, 0::2].set(jnp.sin(ang))
    pe = pe.at[:, 1::2].set(jnp.cos(ang))
    return pe


def setup_inputs(seed: int = 0):
    key = jax.random.key(seed)
    ks = jax.random.split(key, 30)
    s = 1.0 / np.sqrt(CH)
    inp = {}
    inp["x_user"] = jax.random.normal(ks[0], (N_USER, CH), jnp.float32)
    inp["x_item"] = jax.random.normal(ks[1], (N_ITEM, CH), jnp.float32)
    inp["time_user"] = jax.random.uniform(ks[2], (N_USER,), jnp.float32)
    inp["time_item"] = jax.random.uniform(ks[3], (N_ITEM,), jnp.float32)
    inp["seed_time"] = jax.random.uniform(ks[4], (N_SEED,), jnp.float32)
    inp["edge_index_u2i"] = jax.random.randint(ks[5], (2, E), 0, N_USER)
    inp["edge_index_i2u"] = jax.random.randint(ks[6], (2, E), 0, N_ITEM)
    inp["batch_user"] = jax.random.randint(ks[7], (N_USER,), 0, N_SEED)
    inp["batch_item"] = jax.random.randint(ks[8], (N_ITEM,), 0, N_SEED)
    inp["Wt_user"] = jax.random.normal(ks[9], (CH, CH), jnp.float32) * s
    inp["bt_user"] = jnp.zeros((CH,), jnp.float32)
    inp["Wt_item"] = jax.random.normal(ks[10], (CH, CH), jnp.float32) * s
    inp["bt_item"] = jnp.zeros((CH,), jnp.float32)
    k = 12
    for l in range(2):
        for et in ("u2i", "i2u"):
            inp["Wl%d_%s" % (l, et)] = jax.random.normal(ks[k], (CH, CH), jnp.float32) * s; k += 1
            inp["Wr%d_%s" % (l, et)] = jax.random.normal(ks[k], (CH, CH), jnp.float32) * s; k += 1
            inp["b%d_%s" % (l, et)] = jnp.zeros((CH,), jnp.float32)
    return inp


def _sage(h_src, h_dst, edge_index, Wl, Wr, b, n_dst):
    src = edge_index[0]
    dst = edge_index[1]
    msg = jnp.take(h_src, src, axis=0)
    summed = jax.ops.segment_sum(msg, dst, num_segments=n_dst)
    cnt = jax.ops.segment_sum(jnp.ones((dst.shape[0],), jnp.float32), dst, num_segments=n_dst)
    mean = summed / jnp.clip(cnt, 1.0)[:, None]
    return mean @ Wl.T + h_dst @ Wr.T + b


def reference(x_user, x_item, time_user, time_item, seed_time,
              edge_index_u2i, edge_index_i2u, batch_user, batch_item,
              Wt_user, bt_user, Wt_item, bt_item,
              Wl0_u2i, Wr0_u2i, b0_u2i, Wl0_i2u, Wr0_i2u, b0_i2u,
              Wl1_u2i, Wr1_u2i, b1_u2i, Wl1_i2u, Wr1_i2u, b1_i2u):
    # HeteroTemporalEncoder: rel_time = seed_time[batch] - node_time, sinusoidal PE + Linear
    rel_u = jnp.take(seed_time, batch_user) - time_user
    rel_i = jnp.take(seed_time, batch_item) - time_item
    enc_u = positional_encoding(rel_u, CH) @ Wt_user.T + bt_user
    enc_i = positional_encoding(rel_i, CH) @ Wt_item.T + bt_item
    h_u = x_user + enc_u
    h_i = x_item + enc_i
    # HeteroGraphSAGE layer 0 (mean aggr per edge type, SAGEConv lin_l/lin_r)
    new_i = _sage(h_u, h_i, edge_index_u2i, Wl0_u2i, Wr0_u2i, b0_u2i, N_ITEM)
    new_u = _sage(h_i, h_u, edge_index_i2u, Wl0_i2u, Wr0_i2u, b0_i2u, N_USER)
    h_u = jax.nn.relu(new_u)
    h_i = jax.nn.relu(new_i)
    # layer 1 (last layer, no activation)
    out_i = _sage(h_u, h_i, edge_index_u2i, Wl1_u2i, Wr1_u2i, b1_u2i, N_ITEM)
    out_u = _sage(h_i, h_u, edge_index_i2u, Wl1_i2u, Wr1_i2u, b1_i2u, N_USER)
    return (out_u, out_i)

if __name__ == "__main__":
    import jax
    _d = setup_inputs()
    print(jax.jit(kernel)(*tuple(_d.values())))

</pallas_src>

<mosaic_0001>
#map = affine_map<(d0, d1) -> (0, 0, 0)>
#map1 = affine_map<(d0, d1) -> (0)>
#map2 = affine_map<(d0, d1) -> (0, 0)>
module attributes {stable_mosaic.version = 14 : i64} {
  func.func @_agg_body(%arg0: i32, %arg1: i32, %arg2: memref<2x10000x128xf32, #tpu.memory_space<hbm>>, %arg3: memref<640000xi32, #tpu.memory_space<hbm>>, %arg4: memref<640000xi32, #tpu.memory_space<hbm>>, %arg5: memref<10112x128xf32, #tpu.memory_space<hbm>>, %arg6: memref<2x10112x128xf32, #tpu.memory_space<hbm>>, %arg7: memref<80xi32, #tpu.memory_space<vmem>>, %arg8: memref<80xi32, #tpu.memory_space<vmem>>, %arg9: memref<80xi32, #tpu.memory_space<vmem>>, %arg10: memref<80xi32, #tpu.memory_space<vmem>>, %arg11: memref<80x128xf32, #tpu.memory_space<vmem>>, %arg12: memref<80x128xf32, #tpu.memory_space<vmem>>, %arg13: memref<10112x128xf32, #tpu.memory_space<vmem_shared>>, %arg14: memref<!tpu.dma_semaphore, #tpu.memory_space<semaphore_mem>>, %arg15: memref<!tpu.dma_semaphore, #tpu.memory_space<semaphore_mem>>, %arg16: memref<!tpu.dma_semaphore, #tpu.memory_space<semaphore_mem>>, %arg17: memref<!tpu.dma_semaphore, #tpu.memory_space<semaphore_mem>>) attributes {dimension_semantics = [#tpu.dimension_semantics<core_parallel>, #tpu.dimension_semantics<subcore_parallel>], iteration_bounds = array<i64: 2, 16>, scalar_prefetch = 0 : i64, scratch_operands = 11 : i64, tpu.core_type = #tpu.core_type<sc_vector_subcore>, window_params = [{transform_indices = #map}, {transform_indices = #map1}, {transform_indices = #map1}, {transform_indices = #map2}, {transform_indices = #map}]} {
    %mul3A = arith.constant 632 : i32
    %mul3A_0 = arith.muli %arg1, %mul3A : i32
    "tpu.region"() ({
      %run_scoped3A = tpu.sem_alloc : memref<!tpu.dma_semaphore, #tpu.memory_space<semaphore_mem>>
      %dma_start3A = arith.constant 0 : i32
      %dma_start3A_11 = tpu.memref_slice %arg13[%mul3A_0, %dma_start3A] : memref<10112x128xf32, #tpu.memory_space<vmem_shared>> -> memref<632x128xf32, #tpu.memory_space<vmem_shared>>
      %dma_start3A_12 = arith.constant 0 : i32
      %dma_start3A_13 = tpu.memref_slice %arg5[%mul3A_0, %dma_start3A_12] : memref<10112x128xf32, #tpu.memory_space<hbm>> -> memref<632x128xf32, #tpu.memory_space<hbm>>
      tpu.enqueue_dma source(%dma_start3A_13 : memref<632x128xf32, #tpu.memory_space<hbm>>) target(%dma_start3A_11 : memref<632x128xf32, #tpu.memory_space<vmem_shared>>) target_semaphore(%run_scoped3A : memref<!tpu.dma_semaphore, #tpu.memory_space<semaphore_mem>>)
      %dma_wait3A = arith.constant 0 : i32
      %dma_wait3A_14 = tpu.memref_slice %arg13[%mul3A_0, %dma_wait3A] : memref<10112x128xf32, #tpu.memory_space<vmem_shared>> -> memref<632x128xf32, #tpu.memory_space<vmem_shared>>
      %dma_wait3A_15 = arith.constant 0 : i32
      %dma_wait3A_16 = tpu.memref_slice %arg5[%mul3A_0, %dma_wait3A_15] : memref<10112x128xf32, #tpu.memory_space<hbm>> -> memref<632x128xf32, #tpu.memory_space<hbm>>
      tpu.wait_dma2 semaphore(%run_scoped3A : memref<!tpu.dma_semaphore, #tpu.memory_space<semaphore_mem>>) src(%dma_wait3A_16 : memref<632x128xf32, #tpu.memory_space<hbm>>) dst(%dma_wait3A_14 : memref<632x128xf32, #tpu.memory_space<vmem_shared>>)
      tpu.yield
    }) : () -> ()
    %barrier3A = arith.constant 0 : index
    tpu.barrier barrier_id(%barrier3A)
    %mul3A_1 = arith.constant 320000 : i32
    %mul3A_2 = arith.muli %arg0, %mul3A_1 : i32
    %mul3A_3 = arith.constant 20000 : i32
    %mul3A_4 = arith.muli %arg1, %mul3A_3 : i32
    %add3A = arith.addi %mul3A_2, %mul3A_4 : i32
    %scan3A = arith.constant 0 : i32
    %scan3A_5 = arith.constant 0 : i32
    %scan3A_6 = arith.constant 125 : i32
    %scan3A_7 = arith.addi %scan3A_5, %scan3A_6 : i32
    %scan3A_8 = arith.constant 1 : i32
    scf.for %scan3A_11 = %scan3A_5 to %scan3A_7 step %scan3A_8  : i32 {
      %mul3A_12 = arith.constant 2 : i32
      %mul3A_13 = arith.muli %mul3A_12, %scan3A_11 : i32
      %mul3A_14 = arith.constant 80 : i32
      %mul3A_15 = arith.muli %mul3A_13, %mul3A_14 : i32
      %add3A_16 = arith.addi %add3A, %mul3A_15 : i32
      %add3A_17 = arith.constant 80 : i32
      %add3A_18 = arith.addi %add3A_16, %add3A_17 : i32
      %dma_start3A = tpu.memref_slice %arg3[%add3A_16] : memref<640000xi32, #tpu.memory_space<hbm>> -> memref<80xi32, #tpu.memory_space<hbm>>
      %dma_start3A_19 = tpu.memref_slice %arg3[%add3A_16] : memref<640000xi32, #tpu.memory_space<hbm>> -> memref<80xi32, #tpu.memory_space<hbm>>
      tpu.enqueue_dma source(%dma_start3A_19 : memref<80xi32, #tpu.memory_space<hbm>>) target(%arg7 : memref<80xi32, #tpu.memory_space<vmem>>) target_semaphore(%arg16 : memref<!tpu.dma_semaphore, #tpu.memory_space<semaphore_mem>>)
      %dma_start3A_20 = tpu.memref_slice %arg4[%add3A_16] : memref<640000xi32, #tpu.memory_space<hbm>> -> memref<80xi32, #tpu.memory_space<hbm>>
      %dma_start3A_21 = tpu.memref_slice %arg4[%add3A_16] : memref<640000xi32, #tpu.memory_space<hbm>> -> memref<80xi32, #tpu.memory_space<hbm>>
      tpu.enqueue_dma source(%dma_start3A_21 : memref<80xi32, #tpu.memory_space<hbm>>) target(%arg8 : memref<80xi32, #tpu.memory_space<vmem>>) target_semaphore(%arg16 : memref<!tpu.dma_semaphore, #tpu.memory_space<semaphore_mem>>)
      %dma_start3A_22 = tpu.memref_slice %arg3[%add3A_18] : memref<640000xi32, #tpu.memory_space<hbm>> -> memref<80xi32, #tpu.memory_space<hbm>>
      %dma_start3A_23 = tpu.memref_slice %arg3[%add3A_18] : memref<640000xi32, #tpu.memory_space<hbm>> -> memref<80xi32, #tpu.memory_space<hbm>>
      tpu.enqueue_dma source(%dma_start3A_23 : memref<80xi32, #tpu.memory_space<hbm>>) target(%arg9 : memref<80xi32, #tpu.memory_space<vmem>>) target_semaphore(%arg17 : memref<!tpu.dma_semaphore, #tpu.memory_space<semaphore_mem>>)
      %dma_start3A_24 = tpu.memref_slice %arg4[%add3A_18] : memref<640000xi32, #tpu.memory_space<hbm>> -> memref<80xi32, #tpu.memory_space<hbm>>
      %dma_start3A_25 = tpu.memref_slice %arg4[%add3A_18] : memref<640000xi32, #tpu.memory_space<hbm>> -> memref<80xi32, #tpu.memory_space<hbm>>
      tpu.enqueue_dma source(%dma_start3A_25 : memref<80xi32, #tpu.memory_space<hbm>>) target(%arg10 : memref<80xi32, #tpu.memory_space<vmem>>) target_semaphore(%arg17 : memref<!tpu.dma_semaphore, #tpu.memory_space<semaphore_mem>>)
      %dma_wait3A = tpu.memref_slice %arg3[%add3A_16] : memref<640000xi32, #tpu.memory_space<hbm>> -> memref<80xi32, #tpu.memory_space<hbm>>
      %dma_wait3A_26 = tpu.memref_slice %arg3[%add3A_16] : memref<640000xi32, #tpu.memory_space<hbm>> -> memref<80xi32, #tpu.memory_space<hbm>>
      tpu.wait_dma2 semaphore(%arg16 : memref<!tpu.dma_semaphore, #tpu.memory_space<semaphore_mem>>) src(%dma_wait3A_26 : memref<80xi32, #tpu.memory_space<hbm>>) dst(%arg7 : memref<80xi32, #tpu.memory_space<vmem>>)
      %dma_start3A_27 = arith.constant 0 : i32
      %dma_start3A_28 = arith.constant 0 : i32
      %dma_start3A_29 = tpu.memref_slice %arg2[%arg0, %dma_start3A_27, %dma_start3A_28] : memref<2x10000x128xf32, #tpu.memory_space<hbm>> -> memref<1x10000x128xf32, #tpu.memory_space<hbm>>
      %dma_start3A_30 = tpu.memref_squeeze %dma_start3A_29 : memref<1x10000x128xf32, #tpu.memory_space<hbm>> -> memref<10000x128xf32, #tpu.memory_space<hbm>>
      %dma_start3A_31 = arith.constant 0 : i32
      %dma_start3A_32 = arith.constant 0 : i32
      %dma_start3A_33 = tpu.memref_slice %dma_start3A_30[%dma_start3A_31, %dma_start3A_32] : memref<10000x128xf32, #tpu.memory_space<hbm>> -> memref<10000x128xf32, #tpu.memory_space<hbm>>
      tpu.enqueue_indirect_dma source(%dma_start3A_33 : memref<10000x128xf32, #tpu.memory_space<hbm>>) target(%arg11 : memref<80x128xf32, #tpu.memory_space<vmem>>) offsets(%arg7 : memref<80xi32, #tpu.memory_space<vmem>>) semaphore(%arg14 : memref<!tpu.dma_semaphore, #tpu.memory_space<semaphore_mem>>)
      %dma_wait3A_34 = tpu.memref_slice %arg3[%add3A_18] : memref<640000xi32, #tpu.memory_space<hbm>> -> memref<80xi32, #tpu.memory_space<hbm>>
      %dma_wait3A_35 = tpu.memref_slice %arg3[%add3A_18] : memref<640000xi32, #tpu.memory_space<hbm>> -> memref<80xi32, #tpu.memory_space<hbm>>
      tpu.wait_dma2 semaphore(%arg17 : memref<!tpu.dma_semaphore, #tpu.memory_space<semaphore_mem>>) src(%dma_wait3A_35 : memref<80xi32, #tpu.memory_space<hbm>>) dst(%arg9 : memref<80xi32, #tpu.memory_space<vmem>>)
      %dma_start3A_36 = arith.constant 0 : i32
      %dma_start3A_37 = arith.constant 0 : i32
      %dma_start3A_38 = tpu.memref_slice %arg2[%arg0, %dma_start3A_36, %dma_start3A_37] : memref<2x10000x128xf32, #tpu.memory_space<hbm>> -> memref<1x10000x128xf32, #tpu.memory_space<hbm>>
      %dma_start3A_39 = tpu.memref_squeeze %dma_start3A_38 : memref<1x10000x128xf32, #tpu.memory_space<hbm>> -> memref<10000x128xf32, #tpu.memory_space<hbm>>
      %dma_start3A_40 = arith.constant 0 : i32
      %dma_start3A_41 = arith.constant 0 : i32
      %dma_start3A_42 = tpu.memref_slice %dma_start3A_39[%dma_start3A_40, %dma_start3A_41] : memref<10000x128xf32, #tpu.memory_space<hbm>> -> memref<10000x128xf32, #tpu.memory_space<hbm>>
      tpu.enqueue_indirect_dma source(%dma_start3A_42 : memref<10000x128xf32, #tpu.memory_space<hbm>>) target(%arg12 : memref<80x128xf32, #tpu.memory_space<vmem>>) offsets(%arg9 : memref<80xi32, #tpu.memory_space<vmem>>) semaphore(%arg15 : memref<!tpu.dma_semaphore, #tpu.memory_space<semaphore_mem>>)
      %dma_wait3A_43 = arith.constant 0 : i32
      %dma_wait3A_44 = arith.constant 0 : i32
      %dma_wait3A_45 = tpu.memref_slice %arg2[%arg0, %dma_wait3A_43, %dma_wait3A_44] : memref<2x10000x128xf32, #tpu.memory_space<hbm>> -> memref<1x10000x128xf32, #tpu.memory_space<hbm>>
      %dma_wait3A_46 = tpu.memref_squeeze %dma_wait3A_45 : memref<1x10000x128xf32, #tpu.memory_space<hbm>> -> memref<10000x128xf32, #tpu.memory_space<hbm>>
      %dma_wait3A_47 = arith.constant 0 : i32
      %dma_wait3A_48 = arith.constant 0 : i32
      %dma_wait3A_49 = tpu.memref_slice %dma_wait3A_46[%dma_wait3A_47, %dma_wait3A_48] : memref<10000x128xf32, #tpu.memory_space<hbm>> -> memref<10000x128xf32, #tpu.memory_space<hbm>>
      tpu.wait_indirect_dma semaphore(%arg14 : memref<!tpu.dma_semaphore, #tpu.memory_space<semaphore_mem>>) src(%dma_wait3A_49 : memref<10000x128xf32, #tpu.memory_space<hbm>>) dst(%arg11 : memref<80x128xf32, #tpu.memory_space<vmem>>)
      %dma_wait3A_50 = tpu.memref_slice %arg4[%add3A_16] : memref<640000xi32, #tpu.memory_space<hbm>> -> memref<80xi32, #tpu.memory_space<hbm>>
      %dma_wait3A_51 = tpu.memref_slice %arg4[%add3A_16] : memref<640000xi32, #tpu.memory_space<hbm>> -> memref<80xi32, #tpu.memory_space<hbm>>
      tpu.wait_dma2 semaphore(%arg16 : memref<!tpu.dma_semaphore, #tpu.memory_space<semaphore_mem>>) src(%dma_wait3A_51 : memref<80xi32, #tpu.memory_space<hbm>>) dst(%arg8 : memref<80xi32, #tpu.memory_space<vmem>>)
      "tpu.region"() ({
        %run_scoped3A = tpu.sem_alloc : memref<!tpu.dma_semaphore, #tpu.memory_space<semaphore_mem>>
        %dma_start3A_61 = arith.constant 0 : i32
        %dma_start3A_62 = arith.constant 0 : i32
        %dma_start3A_63 = tpu.memref_slice %arg13[%dma_start3A_61, %dma_start3A_62] : memref<10112x128xf32, #tpu.memory_space<vmem_shared>> -> memref<10112x128xf32, #tpu.memory_space<vmem_shared>>
        tpu.enqueue_indirect_dma source(%arg11 : memref<80x128xf32, #tpu.memory_space<vmem>>) target(%dma_start3A_63 : memref<10112x128xf32, #tpu.memory_space<vmem_shared>>) offsets(%arg8 : memref<80xi32, #tpu.memory_space<vmem>>) semaphore(%run_scoped3A : memref<!tpu.dma_semaphore, #tpu.memory_space<semaphore_mem>>) {add = true}
        %dma_wait3A_64 = arith.constant 0 : i32
        %dma_wait3A_65 = arith.constant 0 : i32
        %dma_wait3A_66 = tpu.memref_slice %arg13[%dma_wait3A_64, %dma_wait3A_65] : memref<10112x128xf32, #tpu.memory_space<vmem_shared>> -> memref<10112x128xf32, #tpu.memory_space<vmem_shared>>
        tpu.wait_indirect_dma semaphore(%run_scoped3A : memref<!tpu.dma_semaphore, #tpu.memory_space<semaphore_mem>>) src(%arg11 : memref<80x128xf32, #tpu.memory_space<vmem>>) dst(%dma_wait3A_66 : memref<10112x128xf32, #tpu.memory_space<vmem_shared>>)
        tpu.yield
      }) : () -> ()
      %dma_wait3A_52 = arith.constant 0 : i32
      %dma_wait3A_53 = arith.constant 0 : i32
      %dma_wait3A_54 = tpu.memref_slice %arg2[%arg0, %dma_wait3A_52, %dma_wait3A_53] : memref<2x10000x128xf32, #tpu.memory_space<hbm>> -> memref<1x10000x128xf32, #tpu.memory_space<hbm>>
      %dma_wait3A_55 = tpu.memref_squeeze %dma_wait3A_54 : memref<1x10000x128xf32, #tpu.memory_space<hbm>> -> memref<10000x128xf32, #tpu.memory_space<hbm>>
      %dma_wait3A_56 = arith.constant 0 : i32
      %dma_wait3A_57 = arith.constant 0 : i32
      %dma_wait3A_58 = tpu.memref_slice %dma_wait3A_55[%dma_wait3A_56, %dma_wait3A_57] : memref<10000x128xf32, #tpu.memory_space<hbm>> -> memref<10000x128xf32, #tpu.memory_space<hbm>>
      tpu.wait_indirect_dma semaphore(%arg15 : memref<!tpu.dma_semaphore, #tpu.memory_space<semaphore_mem>>) src(%dma_wait3A_58 : memref<10000x128xf32, #tpu.memory_space<hbm>>) dst(%arg12 : memref<80x128xf32, #tpu.memory_space<vmem>>)
      %dma_wait3A_59 = tpu.memref_slice %arg4[%add3A_18] : memref<640000xi32, #tpu.memory_space<hbm>> -> memref<80xi32, #tpu.memory_space<hbm>>
      %dma_wait3A_60 = tpu.memref_slice %arg4[%add3A_18] : memref<640000xi32, #tpu.memory_space<hbm>> -> memref<80xi32, #tpu.memory_space<hbm>>
      tpu.wait_dma2 semaphore(%arg17 : memref<!tpu.dma_semaphore, #tpu.memory_space<semaphore_mem>>) src(%dma_wait3A_60 : memref<80xi32, #tpu.memory_space<hbm>>) dst(%arg10 : memref<80xi32, #tpu.memory_space<vmem>>)
      "tpu.region"() ({
        %run_scoped3A = tpu.sem_alloc : memref<!tpu.dma_semaphore, #tpu.memory_space<semaphore_mem>>
        %dma_start3A_61 = arith.constant 0 : i32
        %dma_start3A_62 = arith.constant 0 : i32
        %dma_start3A_63 = tpu.memref_slice %arg13[%dma_start3A_61, %dma_start3A_62] : memref<10112x128xf32, #tpu.memory_space<vmem_shared>> -> memref<10112x128xf32, #tpu.memory_space<vmem_shared>>
        tpu.enqueue_indirect_dma source(%arg12 : memref<80x128xf32, #tpu.memory_space<vmem>>) target(%dma_start3A_63 : memref<10112x128xf32, #tpu.memory_space<vmem_shared>>) offsets(%arg10 : memref<80xi32, #tpu.memory_space<vmem>>) semaphore(%run_scoped3A : memref<!tpu.dma_semaphore, #tpu.memory_space<semaphore_mem>>) {add = true}
        %dma_wait3A_64 = arith.constant 0 : i32
        %dma_wait3A_65 = arith.constant 0 : i32
        %dma_wait3A_66 = tpu.memref_slice %arg13[%dma_wait3A_64, %dma_wait3A_65] : memref<10112x128xf32, #tpu.memory_space<vmem_shared>> -> memref<10112x128xf32, #tpu.memory_space<vmem_shared>>
        tpu.wait_indirect_dma semaphore(%run_scoped3A : memref<!tpu.dma_semaphore, #tpu.memory_space<semaphore_mem>>) src(%arg12 : memref<80x128xf32, #tpu.memory_space<vmem>>) dst(%dma_wait3A_66 : memref<10112x128xf32, #tpu.memory_space<vmem_shared>>)
        tpu.yield
      }) : () -> ()
    }
    %scan3A_9 = arith.constant 125 : i32
    %barrier3A_10 = arith.constant 0 : index
    tpu.barrier barrier_id(%barrier3A_10)
    "tpu.region"() ({
      %run_scoped3A = tpu.sem_alloc : memref<!tpu.dma_semaphore, #tpu.memory_space<semaphore_mem>>
      %dma_start3A = arith.constant 0 : i32
      %dma_start3A_11 = tpu.memref_slice %arg6[%arg0, %mul3A_0, %dma_start3A] : memref<2x10112x128xf32, #tpu.memory_space<hbm>> -> memref<1x632x128xf32, #tpu.memory_space<hbm>>
      %dma_start3A_12 = tpu.memref_squeeze %dma_start3A_11 : memref<1x632x128xf32, #tpu.memory_space<hbm>> -> memref<632x128xf32, #tpu.memory_space<hbm>>
      %dma_start3A_13 = arith.constant 0 : i32
      %dma_start3A_14 = tpu.memref_slice %arg13[%mul3A_0, %dma_start3A_13] : memref<10112x128xf32, #tpu.memory_space<vmem_shared>> -> memref<632x128xf32, #tpu.memory_space<vmem_shared>>
      tpu.enqueue_dma source(%dma_start3A_14 : memref<632x128xf32, #tpu.memory_space<vmem_shared>>) target(%dma_start3A_12 : memref<632x128xf32, #tpu.memory_space<hbm>>) target_semaphore(%run_scoped3A : memref<!tpu.dma_semaphore, #tpu.memory_space<semaphore_mem>>)
      %dma_wait3A = arith.constant 0 : i32
      %dma_wait3A_15 = tpu.memref_slice %arg6[%arg0, %mul3A_0, %dma_wait3A] : memref<2x10112x128xf32, #tpu.memory_space<hbm>> -> memref<1x632x128xf32, #tpu.memory_space<hbm>>
      %dma_wait3A_16 = tpu.memref_squeeze %dma_wait3A_15 : memref<1x632x128xf32, #tpu.memory_space<hbm>> -> memref<632x128xf32, #tpu.memory_space<hbm>>
      %dma_wait3A_17 = arith.constant 0 : i32
      %dma_wait3A_18 = tpu.memref_slice %arg13[%mul3A_0, %dma_wait3A_17] : memref<10112x128xf32, #tpu.memory_space<vmem_shared>> -> memref<632x128xf32, #tpu.memory_space<vmem_shared>>
      tpu.wait_dma2 semaphore(%run_scoped3A : memref<!tpu.dma_semaphore, #tpu.memory_space<semaphore_mem>>) src(%dma_wait3A_18 : memref<632x128xf32, #tpu.memory_space<vmem_shared>>) dst(%dma_wait3A_16 : memref<632x128xf32, #tpu.memory_space<hbm>>)
      tpu.yield
    }) : () -> ()
    return
  }
}

#map = affine_map<(d0, d1) -> (0)>
#map1 = affine_map<(d0, d1) -> (0, 0)>
#map2 = affine_map<(d0, d1) -> (0, 0, 0)>
module attributes {stable_mosaic.version = 14 : i64} {
  func.func @_cnt_body(%arg0: i32, %arg1: i32, %arg2: memref<640000xi32, #tpu.memory_space<hbm>>, %arg3: memref<10112x128xf32, #tpu.memory_space<hbm>>, %arg4: memref<80x128xf32, #tpu.memory_space<hbm>>, %arg5: memref<2x10112x128xf32, #tpu.memory_space<hbm>>, %arg6: memref<80xi32, #tpu.memory_space<vmem>>, %arg7: memref<80xi32, #tpu.memory_space<vmem>>, %arg8: memref<80x128xf32, #tpu.memory_space<vmem>>, %arg9: memref<10112x128xf32, #tpu.memory_space<vmem_shared>>, %arg10: memref<!tpu.dma_semaphore, #tpu.memory_space<semaphore_mem>>, %arg11: memref<!tpu.dma_semaphore, #tpu.memory_space<semaphore_mem>>) attributes {dimension_semantics = [#tpu.dimension_semantics<core_parallel>, #tpu.dimension_semantics<subcore_parallel>], iteration_bounds = array<i64: 2, 16>, scalar_prefetch = 0 : i64, scratch_operands = 6 : i64, tpu.core_type = #tpu.core_type<sc_vector_subcore>, window_params = [{transform_indices = #map}, {transform_indices = #map1}, {transform_indices = #map1}, {transform_indices = #map2}]} {
    %mul3A = arith.constant 632 : i32
    %mul3A_0 = arith.muli %arg1, %mul3A : i32
    "tpu.region"() ({
      %run_scoped3A = tpu.sem_alloc : memref<!tpu.dma_semaphore, #tpu.memory_space<semaphore_mem>>
      %dma_start3A = arith.constant 0 : i32
      %dma_start3A_11 = tpu.memref_slice %arg9[%mul3A_0, %dma_start3A] : memref<10112x128xf32, #tpu.memory_space<vmem_shared>> -> memref<632x128xf32, #tpu.memory_space<vmem_shared>>
      %dma_start3A_12 = arith.constant 0 : i32
      %dma_start3A_13 = tpu.memref_slice %arg3[%mul3A_0, %dma_start3A_12] : memref<10112x128xf32, #tpu.memory_space<hbm>> -> memref<632x128xf32, #tpu.memory_space<hbm>>
      tpu.enqueue_dma source(%dma_start3A_13 : memref<632x128xf32, #tpu.memory_space<hbm>>) target(%dma_start3A_11 : memref<632x128xf32, #tpu.memory_space<vmem_shared>>) target_semaphore(%run_scoped3A : memref<!tpu.dma_semaphore, #tpu.memory_space<semaphore_mem>>)
      %dma_wait3A = arith.constant 0 : i32
      %dma_wait3A_14 = tpu.memref_slice %arg9[%mul3A_0, %dma_wait3A] : memref<10112x128xf32, #tpu.memory_space<vmem_shared>> -> memref<632x128xf32, #tpu.memory_space<vmem_shared>>
      %dma_wait3A_15 = arith.constant 0 : i32
      %dma_wait3A_16 = tpu.memref_slice %arg3[%mul3A_0, %dma_wait3A_15] : memref<10112x128xf32, #tpu.memory_space<hbm>> -> memref<632x128xf32, #tpu.memory_space<hbm>>
      tpu.wait_dma2 semaphore(%run_scoped3A : memref<!tpu.dma_semaphore, #tpu.memory_space<semaphore_mem>>) src(%dma_wait3A_16 : memref<632x128xf32, #tpu.memory_space<hbm>>) dst(%dma_wait3A_14 : memref<632x128xf32, #tpu.memory_space<vmem_shared>>)
      tpu.yield
    }) : () -> ()
    "tpu.region"() ({
      %run_scoped3A = tpu.sem_alloc : memref<!tpu.dma_semaphore, #tpu.memory_space<semaphore_mem>>
      tpu.enqueue_dma source(%arg4 : memref<80x128xf32, #tpu.memory_space<hbm>>) target(%arg8 : memref<80x128xf32, #tpu.memory_space<vmem>>) target_semaphore(%run_scoped3A : memref<!tpu.dma_semaphore, #tpu.memory_space<semaphore_mem>>)
      tpu.wait_dma2 semaphore(%run_scoped3A : memref<!tpu.dma_semaphore, #tpu.memory_space<semaphore_mem>>) src(%arg4 : memref<80x128xf32, #tpu.memory_space<hbm>>) dst(%arg8 : memref<80x128xf32, #tpu.memory_space<vmem>>)
      tpu.yield
    }) : () -> ()
    %barrier3A = arith.constant 0 : index
    tpu.barrier barrier_id(%barrier3A)
    %mul3A_1 = arith.constant 320000 : i32
    %mul3A_2 = arith.muli %arg0, %mul3A_1 : i32
    %mul3A_3 = arith.constant 20000 : i32
    %mul3A_4 = arith.muli %arg1, %mul3A_3 : i32
    %add3A = arith.addi %mul3A_2, %mul3A_4 : i32
    %scan3A = arith.constant 0 : i32
    %scan3A_5 = arith.constant 0 : i32
    %scan3A_6 = arith.constant 125 : i32
    %scan3A_7 = arith.addi %scan3A_5, %scan3A_6 : i32
    %scan3A_8 = arith.constant 1 : i32
    scf.for %scan3A_11 = %scan3A_5 to %scan3A_7 step %scan3A_8  : i32 {
      %mul3A_12 = arith.constant 2 : i32
      %mul3A_13 = arith.muli %mul3A_12, %scan3A_11 : i32
      %mul3A_14 = arith.constant 80 : i32
      %mul3A_15 = arith.muli %mul3A_13, %mul3A_14 : i32
      %add3A_16 = arith.addi %add3A, %mul3A_15 : i32
      %add3A_17 = arith.constant 80 : i32
      %add3A_18 = arith.addi %add3A_16, %add3A_17 : i32
      %dma_start3A = tpu.memref_slice %arg2[%add3A_16] : memref<640000xi32, #tpu.memory_space<hbm>> -> memref<80xi32, #tpu.memory_space<hbm>>
      %dma_start3A_19 = tpu.memref_slice %arg2[%add3A_16] : memref<640000xi32, #tpu.memory_space<hbm>> -> memref<80xi32, #tpu.memory_space<hbm>>
      tpu.enqueue_dma source(%dma_start3A_19 : memref<80xi32, #tpu.memory_space<hbm>>) target(%arg6 : memref<80xi32, #tpu.memory_space<vmem>>) target_semaphore(%arg10 : memref<!tpu.dma_semaphore, #tpu.memory_space<semaphore_mem>>)
      %dma_start3A_20 = tpu.memref_slice %arg2[%add3A_18] : memref<640000xi32, #tpu.memory_space<hbm>> -> memref<80xi32, #tpu.memory_space<hbm>>
      %dma_start3A_21 = tpu.memref_slice %arg2[%add3A_18] : memref<640000xi32, #tpu.memory_space<hbm>> -> memref<80xi32, #tpu.memory_space<hbm>>
      tpu.enqueue_dma source(%dma_start3A_21 : memref<80xi32, #tpu.memory_space<hbm>>) target(%arg7 : memref<80xi32, #tpu.memory_space<vmem>>) target_semaphore(%arg11 : memref<!tpu.dma_semaphore, #tpu.memory_space<semaphore_mem>>)
      %dma_wait3A = tpu.memref_slice %arg2[%add3A_16] : memref<640000xi32, #tpu.memory_space<hbm>> -> memref<80xi32, #tpu.memory_space<hbm>>
      %dma_wait3A_22 = tpu.memref_slice %arg2[%add3A_16] : memref<640000xi32, #tpu.memory_space<hbm>> -> memref<80xi32, #tpu.memory_space<hbm>>
      tpu.wait_dma2 semaphore(%arg10 : memref<!tpu.dma_semaphore, #tpu.memory_space<semaphore_mem>>) src(%dma_wait3A_22 : memref<80xi32, #tpu.memory_space<hbm>>) dst(%arg6 : memref<80xi32, #tpu.memory_space<vmem>>)
      "tpu.region"() ({
        %run_scoped3A = tpu.sem_alloc : memref<!tpu.dma_semaphore, #tpu.memory_space<semaphore_mem>>
        %dma_start3A_25 = arith.constant 0 : i32
        %dma_start3A_26 = arith.constant 0 : i32
        %dma_start3A_27 = tpu.memref_slice %arg9[%dma_start3A_25, %dma_start3A_26] : memref<10112x128xf32, #tpu.memory_space<vmem_shared>> -> memref<10112x128xf32, #tpu.memory_space<vmem_shared>>
        tpu.enqueue_indirect_dma source(%arg8 : memref<80x128xf32, #tpu.memory_space<vmem>>) target(%dma_start3A_27 : memref<10112x128xf32, #tpu.memory_space<vmem_shared>>) offsets(%arg6 : memref<80xi32, #tpu.memory_space<vmem>>) semaphore(%run_scoped3A : memref<!tpu.dma_semaphore, #tpu.memory_space<semaphore_mem>>) {add = true}
        %dma_wait3A_28 = arith.constant 0 : i32
        %dma_wait3A_29 = arith.constant 0 : i32
        %dma_wait3A_30 = tpu.memref_slice %arg9[%dma_wait3A_28, %dma_wait3A_29] : memref<10112x128xf32, #tpu.memory_space<vmem_shared>> -> memref<10112x128xf32, #tpu.memory_space<vmem_shared>>
        tpu.wait_indirect_dma semaphore(%run_scoped3A : memref<!tpu.dma_semaphore, #tpu.memory_space<semaphore_mem>>) src(%arg8 : memref<80x128xf32, #tpu.memory_space<vmem>>) dst(%dma_wait3A_30 : memref<10112x128xf32, #tpu.memory_space<vmem_shared>>)
        tpu.yield
      }) : () -> ()
      %dma_wait3A_23 = tpu.memref_slice %arg2[%add3A_18] : memref<640000xi32, #tpu.memory_space<hbm>> -> memref<80xi32, #tpu.memory_space<hbm>>
      %dma_wait3A_24 = tpu.memref_slice %arg2[%add3A_18] : memref<640000xi32, #tpu.memory_space<hbm>> -> memref<80xi32, #tpu.memory_space<hbm>>
      tpu.wait_dma2 semaphore(%arg11 : memref<!tpu.dma_semaphore, #tpu.memory_space<semaphore_mem>>) src(%dma_wait3A_24 : memref<80xi32, #tpu.memory_space<hbm>>) dst(%arg7 : memref<80xi32, #tpu.memory_space<vmem>>)
      "tpu.region"() ({
        %run_scoped3A = tpu.sem_alloc : memref<!tpu.dma_semaphore, #tpu.memory_space<semaphore_mem>>
        %dma_start3A_25 = arith.constant 0 : i32
        %dma_start3A_26 = arith.constant 0 : i32
        %dma_start3A_27 = tpu.memref_slice %arg9[%dma_start3A_25, %dma_start3A_26] : memref<10112x128xf32, #tpu.memory_space<vmem_shared>> -> memref<10112x128xf32, #tpu.memory_space<vmem_shared>>
        tpu.enqueue_indirect_dma source(%arg8 : memref<80x128xf32, #tpu.memory_space<vmem>>) target(%dma_start3A_27 : memref<10112x128xf32, #tpu.memory_space<vmem_shared>>) offsets(%arg7 : memref<80xi32, #tpu.memory_space<vmem>>) semaphore(%run_scoped3A : memref<!tpu.dma_semaphore, #tpu.memory_space<semaphore_mem>>) {add = true}
        %dma_wait3A_28 = arith.constant 0 : i32
        %dma_wait3A_29 = arith.constant 0 : i32
        %dma_wait3A_30 = tpu.memref_slice %arg9[%dma_wait3A_28, %dma_wait3A_29] : memref<10112x128xf32, #tpu.memory_space<vmem_shared>> -> memref<10112x128xf32, #tpu.memory_space<vmem_shared>>
        tpu.wait_indirect_dma semaphore(%run_scoped3A : memref<!tpu.dma_semaphore, #tpu.memory_space<semaphore_mem>>) src(%arg8 : memref<80x128xf32, #tpu.memory_space<vmem>>) dst(%dma_wait3A_30 : memref<10112x128xf32, #tpu.memory_space<vmem_shared>>)
        tpu.yield
      }) : () -> ()
    }
    %scan3A_9 = arith.constant 125 : i32
    %barrier3A_10 = arith.constant 0 : index
    tpu.barrier barrier_id(%barrier3A_10)
    "tpu.region"() ({
      %run_scoped3A = tpu.sem_alloc : memref<!tpu.dma_semaphore, #tpu.memory_space<semaphore_mem>>
      %dma_start3A = arith.constant 0 : i32
      %dma_start3A_11 = tpu.memref_slice %arg5[%arg0, %mul3A_0, %dma_start3A] : memref<2x10112x128xf32, #tpu.memory_space<hbm>> -> memref<1x632x128xf32, #tpu.memory_space<hbm>>
      %dma_start3A_12 = tpu.memref_squeeze %dma_start3A_11 : memref<1x632x128xf32, #tpu.memory_space<hbm>> -> memref<632x128xf32, #tpu.memory_space<hbm>>
      %dma_start3A_13 = arith.constant 0 : i32
      %dma_start3A_14 = tpu.memref_slice %arg9[%mul3A_0, %dma_start3A_13] : memref<10112x128xf32, #tpu.memory_space<vmem_shared>> -> memref<632x128xf32, #tpu.memory_space<vmem_shared>>
      tpu.enqueue_dma source(%dma_start3A_14 : memref<632x128xf32, #tpu.memory_space<vmem_shared>>) target(%dma_start3A_12 : memref<632x128xf32, #tpu.memory_space<hbm>>) target_semaphore(%run_scoped3A : memref<!tpu.dma_semaphore, #tpu.memory_space<semaphore_mem>>)
      %dma_wait3A = arith.constant 0 : i32
      %dma_wait3A_15 = tpu.memref_slice %arg5[%arg0, %mul3A_0, %dma_wait3A] : memref<2x10112x128xf32, #tpu.memory_space<hbm>> -> memref<1x632x128xf32, #tpu.memory_space<hbm>>
      %dma_wait3A_16 = tpu.memref_squeeze %dma_wait3A_15 : memref<1x632x128xf32, #tpu.memory_space<hbm>> -> memref<632x128xf32, #tpu.memory_space<hbm>>
      %dma_wait3A_17 = arith.constant 0 : i32
      %dma_wait3A_18 = tpu.memref_slice %arg9[%mul3A_0, %dma_wait3A_17] : memref<10112x128xf32, #tpu.memory_space<vmem_shared>> -> memref<632x128xf32, #tpu.memory_space<vmem_shared>>
      tpu.wait_dma2 semaphore(%run_scoped3A : memref<!tpu.dma_semaphore, #tpu.memory_space<semaphore_mem>>) src(%dma_wait3A_18 : memref<632x128xf32, #tpu.memory_space<vmem_shared>>) dst(%dma_wait3A_16 : memref<632x128xf32, #tpu.memory_space<hbm>>)
      tpu.yield
    }) : () -> ()
    return
  }
}

#map = affine_map<(d0, d1) -> (0, 0, 0)>
#map1 = affine_map<(d0, d1) -> (0)>
#map2 = affine_map<(d0, d1) -> (0, 0)>
module attributes {stable_mosaic.version = 14 : i64} {
  func.func @_agg_body(%arg0: i32, %arg1: i32, %arg2: memref<2x10000x128xf32, #tpu.memory_space<hbm>>, %arg3: memref<640000xi32, #tpu.memory_space<hbm>>, %arg4: memref<640000xi32, #tpu.memory_space<hbm>>, %arg5: memref<10112x128xf32, #tpu.memory_space<hbm>>, %arg6: memref<2x10112x128xf32, #tpu.memory_space<hbm>>, %arg7: memref<80xi32, #tpu.memory_space<vmem>>, %arg8: memref<80xi32, #tpu.memory_space<vmem>>, %arg9: memref<80xi32, #tpu.memory_space<vmem>>, %arg10: memref<80xi32, #tpu.memory_space<vmem>>, %arg11: memref<80x128xf32, #tpu.memory_space<vmem>>, %arg12: memref<80x128xf32, #tpu.memory_space<vmem>>, %arg13: memref<10112x128xf32, #tpu.memory_space<vmem_shared>>, %arg14: memref<!tpu.dma_semaphore, #tpu.memory_space<semaphore_mem>>, %arg15: memref<!tpu.dma_semaphore, #tpu.memory_space<semaphore_mem>>, %arg16: memref<!tpu.dma_semaphore, #tpu.memory_space<semaphore_mem>>, %arg17: memref<!tpu.dma_semaphore, #tpu.memory_space<semaphore_mem>>) attributes {dimension_semantics = [#tpu.dimension_semantics<core_parallel>, #tpu.dimension_semantics<subcore_parallel>], iteration_bounds = array<i64: 2, 16>, scalar_prefetch = 0 : i64, scratch_operands = 11 : i64, tpu.core_type = #tpu.core_type<sc_vector_subcore>, window_params = [{transform_indices = #map}, {transform_indices = #map1}, {transform_indices = #map1}, {transform_indices = #map2}, {transform_indices = #map}]} {
    %mul3A = arith.constant 632 : i32
    %mul3A_0 = arith.muli %arg1, %mul3A : i32
    "tpu.region"() ({
      %run_scoped3A = tpu.sem_alloc : memref<!tpu.dma_semaphore, #tpu.memory_space<semaphore_mem>>
      %dma_start3A = arith.constant 0 : i32
      %dma_start3A_11 = tpu.memref_slice %arg13[%mul3A_0, %dma_start3A] : memref<10112x128xf32, #tpu.memory_space<vmem_shared>> -> memref<632x128xf32, #tpu.memory_space<vmem_shared>>
      %dma_start3A_12 = arith.constant 0 : i32
      %dma_start3A_13 = tpu.memref_slice %arg5[%mul3A_0, %dma_start3A_12] : memref<10112x128xf32, #tpu.memory_space<hbm>> -> memref<632x128xf32, #tpu.memory_space<hbm>>
      tpu.enqueue_dma source(%dma_start3A_13 : memref<632x128xf32, #tpu.memory_space<hbm>>) target(%dma_start3A_11 : memref<632x128xf32, #tpu.memory_space<vmem_shared>>) target_semaphore(%run_scoped3A : memref<!tpu.dma_semaphore, #tpu.memory_space<semaphore_mem>>)
      %dma_wait3A = arith.constant 0 : i32
      %dma_wait3A_14 = tpu.memref_slice %arg13[%mul3A_0, %dma_wait3A] : memref<10112x128xf32, #tpu.memory_space<vmem_shared>> -> memref<632x128xf32, #tpu.memory_space<vmem_shared>>
      %dma_wait3A_15 = arith.constant 0 : i32
      %dma_wait3A_16 = tpu.memref_slice %arg5[%mul3A_0, %dma_wait3A_15] : memref<10112x128xf32, #tpu.memory_space<hbm>> -> memref<632x128xf32, #tpu.memory_space<hbm>>
      tpu.wait_dma2 semaphore(%run_scoped3A : memref<!tpu.dma_semaphore, #tpu.memory_space<semaphore_mem>>) src(%dma_wait3A_16 : memref<632x128xf32, #tpu.memory_space<hbm>>) dst(%dma_wait3A_14 : memref<632x128xf32, #tpu.memory_space<vmem_shared>>)
      tpu.yield
    }) : () -> ()
    %barrier3A = arith.constant 0 : index
    tpu.barrier barrier_id(%barrier3A)
    %mul3A_1 = arith.constant 320000 : i32
    %mul3A_2 = arith.muli %arg0, %mul3A_1 : i32
    %mul3A_3 = arith.constant 20000 : i32
    %mul3A_4 = arith.muli %arg1, %mul3A_3 : i32
    %add3A = arith.addi %mul3A_2, %mul3A_4 : i32
    %scan3A = arith.constant 0 : i32
    %scan3A_5 = arith.constant 0 : i32
    %scan3A_6 = arith.constant 125 : i32
    %scan3A_7 = arith.addi %scan3A_5, %scan3A_6 : i32
    %scan3A_8 = arith.constant 1 : i32
    scf.for %scan3A_11 = %scan3A_5 to %scan3A_7 step %scan3A_8  : i32 {
      %mul3A_12 = arith.constant 2 : i32
      %mul3A_13 = arith.muli %mul3A_12, %scan3A_11 : i32
      %mul3A_14 = arith.constant 80 : i32
      %mul3A_15 = arith.muli %mul3A_13, %mul3A_14 : i32
      %add3A_16 = arith.addi %add3A, %mul3A_15 : i32
      %add3A_17 = arith.constant 80 : i32
      %add3A_18 = arith.addi %add3A_16, %add3A_17 : i32
      %dma_start3A = tpu.memref_slice %arg3[%add3A_16] : memref<640000xi32, #tpu.memory_space<hbm>> -> memref<80xi32, #tpu.memory_space<hbm>>
      %dma_start3A_19 = tpu.memref_slice %arg3[%add3A_16] : memref<640000xi32, #tpu.memory_space<hbm>> -> memref<80xi32, #tpu.memory_space<hbm>>
      tpu.enqueue_dma source(%dma_start3A_19 : memref<80xi32, #tpu.memory_space<hbm>>) target(%arg7 : memref<80xi32, #tpu.memory_space<vmem>>) target_semaphore(%arg16 : memref<!tpu.dma_semaphore, #tpu.memory_space<semaphore_mem>>)
      %dma_start3A_20 = tpu.memref_slice %arg4[%add3A_16] : memref<640000xi32, #tpu.memory_space<hbm>> -> memref<80xi32, #tpu.memory_space<hbm>>
      %dma_start3A_21 = tpu.memref_slice %arg4[%add3A_16] : memref<640000xi32, #tpu.memory_space<hbm>> -> memref<80xi32, #tpu.memory_space<hbm>>
      tpu.enqueue_dma source(%dma_start3A_21 : memref<80xi32, #tpu.memory_space<hbm>>) target(%arg8 : memref<80xi32, #tpu.memory_space<vmem>>) target_semaphore(%arg16 : memref<!tpu.dma_semaphore, #tpu.memory_space<semaphore_mem>>)
      %dma_start3A_22 = tpu.memref_slice %arg3[%add3A_18] : memref<640000xi32, #tpu.memory_space<hbm>> -> memref<80xi32, #tpu.memory_space<hbm>>
      %dma_start3A_23 = tpu.memref_slice %arg3[%add3A_18] : memref<640000xi32, #tpu.memory_space<hbm>> -> memref<80xi32, #tpu.memory_space<hbm>>
      tpu.enqueue_dma source(%dma_start3A_23 : memref<80xi32, #tpu.memory_space<hbm>>) target(%arg9 : memref<80xi32, #tpu.memory_space<vmem>>) target_semaphore(%arg17 : memref<!tpu.dma_semaphore, #tpu.memory_space<semaphore_mem>>)
      %dma_start3A_24 = tpu.memref_slice %arg4[%add3A_18] : memref<640000xi32, #tpu.memory_space<hbm>> -> memref<80xi32, #tpu.memory_space<hbm>>
      %dma_start3A_25 = tpu.memref_slice %arg4[%add3A_18] : memref<640000xi32, #tpu.memory_space<hbm>> -> memref<80xi32, #tpu.memory_space<hbm>>
      tpu.enqueue_dma source(%dma_start3A_25 : memref<80xi32, #tpu.memory_space<hbm>>) target(%arg10 : memref<80xi32, #tpu.memory_space<vmem>>) target_semaphore(%arg17 : memref<!tpu.dma_semaphore, #tpu.memory_space<semaphore_mem>>)
      %dma_wait3A = tpu.memref_slice %arg3[%add3A_16] : memref<640000xi32, #tpu.memory_space<hbm>> -> memref<80xi32, #tpu.memory_space<hbm>>
      %dma_wait3A_26 = tpu.memref_slice %arg3[%add3A_16] : memref<640000xi32, #tpu.memory_space<hbm>> -> memref<80xi32, #tpu.memory_space<hbm>>
      tpu.wait_dma2 semaphore(%arg16 : memref<!tpu.dma_semaphore, #tpu.memory_space<semaphore_mem>>) src(%dma_wait3A_26 : memref<80xi32, #tpu.memory_space<hbm>>) dst(%arg7 : memref<80xi32, #tpu.memory_space<vmem>>)
      %dma_start3A_27 = arith.constant 0 : i32
      %dma_start3A_28 = arith.constant 0 : i32
      %dma_start3A_29 = tpu.memref_slice %arg2[%arg0, %dma_start3A_27, %dma_start3A_28] : memref<2x10000x128xf32, #tpu.memory_space<hbm>> -> memref<1x10000x128xf32, #tpu.memory_space<hbm>>
      %dma_start3A_30 = tpu.memref_squeeze %dma_start3A_29 : memref<1x10000x128xf32, #tpu.memory_space<hbm>> -> memref<10000x128xf32, #tpu.memory_space<hbm>>
      %dma_start3A_31 = arith.constant 0 : i32
      %dma_start3A_32 = arith.constant 0 : i32
      %dma_start3A_33 = tpu.memref_slice %dma_start3A_30[%dma_start3A_31, %dma_start3A_32] : memref<10000x128xf32, #tpu.memory_space<hbm>> -> memref<10000x128xf32, #tpu.memory_space<hbm>>
      tpu.enqueue_indirect_dma source(%dma_start3A_33 : memref<10000x128xf32, #tpu.memory_space<hbm>>) target(%arg11 : memref<80x128xf32, #tpu.memory_space<vmem>>) offsets(%arg7 : memref<80xi32, #tpu.memory_space<vmem>>) semaphore(%arg14 : memref<!tpu.dma_semaphore, #tpu.memory_space<semaphore_mem>>)
      %dma_wait3A_34 = tpu.memref_slice %arg3[%add3A_18] : memref<640000xi32, #tpu.memory_space<hbm>> -> memref<80xi32, #tpu.memory_space<hbm>>
      %dma_wait3A_35 = tpu.memref_slice %arg3[%add3A_18] : memref<640000xi32, #tpu.memory_space<hbm>> -> memref<80xi32, #tpu.memory_space<hbm>>
      tpu.wait_dma2 semaphore(%arg17 : memref<!tpu.dma_semaphore, #tpu.memory_space<semaphore_mem>>) src(%dma_wait3A_35 : memref<80xi32, #tpu.memory_space<hbm>>) dst(%arg9 : memref<80xi32, #tpu.memory_space<vmem>>)
      %dma_start3A_36 = arith.constant 0 : i32
      %dma_start3A_37 = arith.constant 0 : i32
      %dma_start3A_38 = tpu.memref_slice %arg2[%arg0, %dma_start3A_36, %dma_start3A_37] : memref<2x10000x128xf32, #tpu.memory_space<hbm>> -> memref<1x10000x128xf32, #tpu.memory_space<hbm>>
      %dma_start3A_39 = tpu.memref_squeeze %dma_start3A_38 : memref<1x10000x128xf32, #tpu.memory_space<hbm>> -> memref<10000x128xf32, #tpu.memory_space<hbm>>
      %dma_start3A_40 = arith.constant 0 : i32
      %dma_start3A_41 = arith.constant 0 : i32
      %dma_start3A_42 = tpu.memref_slice %dma_start3A_39[%dma_start3A_40, %dma_start3A_41] : memref<10000x128xf32, #tpu.memory_space<hbm>> -> memref<10000x128xf32, #tpu.memory_space<hbm>>
      tpu.enqueue_indirect_dma source(%dma_start3A_42 : memref<10000x128xf32, #tpu.memory_space<hbm>>) target(%arg12 : memref<80x128xf32, #tpu.memory_space<vmem>>) offsets(%arg9 : memref<80xi32, #tpu.memory_space<vmem>>) semaphore(%arg15 : memref<!tpu.dma_semaphore, #tpu.memory_space<semaphore_mem>>)
      %dma_wait3A_43 = arith.constant 0 : i32
      %dma_wait3A_44 = arith.constant 0 : i32
      %dma_wait3A_45 = tpu.memref_slice %arg2[%arg0, %dma_wait3A_43, %dma_wait3A_44] : memref<2x10000x128xf32, #tpu.memory_space<hbm>> -> memref<1x10000x128xf32, #tpu.memory_space<hbm>>
      %dma_wait3A_46 = tpu.memref_squeeze %dma_wait3A_45 : memref<1x10000x128xf32, #tpu.memory_space<hbm>> -> memref<10000x128xf32, #tpu.memory_space<hbm>>
      %dma_wait3A_47 = arith.constant 0 : i32
      %dma_wait3A_48 = arith.constant 0 : i32
      %dma_wait3A_49 = tpu.memref_slice %dma_wait3A_46[%dma_wait3A_47, %dma_wait3A_48] : memref<10000x128xf32, #tpu.memory_space<hbm>> -> memref<10000x128xf32, #tpu.memory_space<hbm>>
      tpu.wait_indirect_dma semaphore(%arg14 : memref<!tpu.dma_semaphore, #tpu.memory_space<semaphore_mem>>) src(%dma_wait3A_49 : memref<10000x128xf32, #tpu.memory_space<hbm>>) dst(%arg11 : memref<80x128xf32, #tpu.memory_space<vmem>>)
      %dma_wait3A_50 = tpu.memref_slice %arg4[%add3A_16] : memref<640000xi32, #tpu.memory_space<hbm>> -> memref<80xi32, #tpu.memory_space<hbm>>
      %dma_wait3A_51 = tpu.memref_slice %arg4[%add3A_16] : memref<640000xi32, #tpu.memory_space<hbm>> -> memref<80xi32, #tpu.memory_space<hbm>>
      tpu.wait_dma2 semaphore(%arg16 : memref<!tpu.dma_semaphore, #tpu.memory_space<semaphore_mem>>) src(%dma_wait3A_51 : memref<80xi32, #tpu.memory_space<hbm>>) dst(%arg8 : memref<80xi32, #tpu.memory_space<vmem>>)
      "tpu.region"() ({
        %run_scoped3A = tpu.sem_alloc : memref<!tpu.dma_semaphore, #tpu.memory_space<semaphore_mem>>
        %dma_start3A_61 = arith.constant 0 : i32
        %dma_start3A_62 = arith.constant 0 : i32
        %dma_start3A_63 = tpu.memref_slice %arg13[%dma_start3A_61, %dma_start3A_62] : memref<10112x128xf32, #tpu.memory_space<vmem_shared>> -> memref<10112x128xf32, #tpu.memory_space<vmem_shared>>
        tpu.enqueue_indirect_dma source(%arg11 : memref<80x128xf32, #tpu.memory_space<vmem>>) target(%dma_start3A_63 : memref<10112x128xf32, #tpu.memory_space<vmem_shared>>) offsets(%arg8 : memref<80xi32, #tpu.memory_space<vmem>>) semaphore(%run_scoped3A : memref<!tpu.dma_semaphore, #tpu.memory_space<semaphore_mem>>) {add = true}
        %dma_wait3A_64 = arith.constant 0 : i32
        %dma_wait3A_65 = arith.constant 0 : i32
        %dma_wait3A_66 = tpu.memref_slice %arg13[%dma_wait3A_64, %dma_wait3A_65] : memref<10112x128xf32, #tpu.memory_space<vmem_shared>> -> memref<10112x128xf32, #tpu.memory_space<vmem_shared>>
        tpu.wait_indirect_dma semaphore(%run_scoped3A : memref<!tpu.dma_semaphore, #tpu.memory_space<semaphore_mem>>) src(%arg11 : memref<80x128xf32, #tpu.memory_space<vmem>>) dst(%dma_wait3A_66 : memref<10112x128xf32, #tpu.memory_space<vmem_shared>>)
        tpu.yield
      }) : () -> ()
      %dma_wait3A_52 = arith.constant 0 : i32
      %dma_wait3A_53 = arith.constant 0 : i32
      %dma_wait3A_54 = tpu.memref_slice %arg2[%arg0, %dma_wait3A_52, %dma_wait3A_53] : memref<2x10000x128xf32, #tpu.memory_space<hbm>> -> memref<1x10000x128xf32, #tpu.memory_space<hbm>>
      %dma_wait3A_55 = tpu.memref_squeeze %dma_wait3A_54 : memref<1x10000x128xf32, #tpu.memory_space<hbm>> -> memref<10000x128xf32, #tpu.memory_space<hbm>>
      %dma_wait3A_56 = arith.constant 0 : i32
      %dma_wait3A_57 = arith.constant 0 : i32
      %dma_wait3A_58 = tpu.memref_slice %dma_wait3A_55[%dma_wait3A_56, %dma_wait3A_57] : memref<10000x128xf32, #tpu.memory_space<hbm>> -> memref<10000x128xf32, #tpu.memory_space<hbm>>
      tpu.wait_indirect_dma semaphore(%arg15 : memref<!tpu.dma_semaphore, #tpu.memory_space<semaphore_mem>>) src(%dma_wait3A_58 : memref<10000x128xf32, #tpu.memory_space<hbm>>) dst(%arg12 : memref<80x128xf32, #tpu.memory_space<vmem>>)
      %dma_wait3A_59 = tpu.memref_slice %arg4[%add3A_18] : memref<640000xi32, #tpu.memory_space<hbm>> -> memref<80xi32, #tpu.memory_space<hbm>>
      %dma_wait3A_60 = tpu.memref_slice %arg4[%add3A_18] : memref<640000xi32, #tpu.memory_space<hbm>> -> memref<80xi32, #tpu.memory_space<hbm>>
      tpu.wait_dma2 semaphore(%arg17 : memref<!tpu.dma_semaphore, #tpu.memory_space<semaphore_mem>>) src(%dma_wait3A_60 : memref<80xi32, #tpu.memory_space<hbm>>) dst(%arg10 : memref<80xi32, #tpu.memory_space<vmem>>)
      "tpu.region"() ({
        %run_scoped3A = tpu.sem_alloc : memref<!tpu.dma_semaphore, #tpu.memory_space<semaphore_mem>>
        %dma_start3A_61 = arith.constant 0 : i32
        %dma_start3A_62 = arith.constant 0 : i32
        %dma_start3A_63 = tpu.memref_slice %arg13[%dma_start3A_61, %dma_start3A_62] : memref<10112x128xf32, #tpu.memory_space<vmem_shared>> -> memref<10112x128xf32, #tpu.memory_space<vmem_shared>>
        tpu.enqueue_indirect_dma source(%arg12 : memref<80x128xf32, #tpu.memory_space<vmem>>) target(%dma_start3A_63 : memref<10112x128xf32, #tpu.memory_space<vmem_shared>>) offsets(%arg10 : memref<80xi32, #tpu.memory_space<vmem>>) semaphore(%run_scoped3A : memref<!tpu.dma_semaphore, #tpu.memory_space<semaphore_mem>>) {add = true}
        %dma_wait3A_64 = arith.constant 0 : i32
        %dma_wait3A_65 = arith.constant 0 : i32
        %dma_wait3A_66 = tpu.memref_slice %arg13[%dma_wait3A_64, %dma_wait3A_65] : memref<10112x128xf32, #tpu.memory_space<vmem_shared>> -> memref<10112x128xf32, #tpu.memory_space<vmem_shared>>
        tpu.wait_indirect_dma semaphore(%run_scoped3A : memref<!tpu.dma_semaphore, #tpu.memory_space<semaphore_mem>>) src(%arg12 : memref<80x128xf32, #tpu.memory_space<vmem>>) dst(%dma_wait3A_66 : memref<10112x128xf32, #tpu.memory_space<vmem_shared>>)
        tpu.yield
      }) : () -> ()
    }
    %scan3A_9 = arith.constant 125 : i32
    %barrier3A_10 = arith.constant 0 : index
    tpu.barrier barrier_id(%barrier3A_10)
    "tpu.region"() ({
      %run_scoped3A = tpu.sem_alloc : memref<!tpu.dma_semaphore, #tpu.memory_space<semaphore_mem>>
      %dma_start3A = arith.constant 0 : i32
      %dma_start3A_11 = tpu.memref_slice %arg6[%arg0, %mul3A_0, %dma_start3A] : memref<2x10112x128xf32, #tpu.memory_space<hbm>> -> memref<1x632x128xf32, #tpu.memory_space<hbm>>
      %dma_start3A_12 = tpu.memref_squeeze %dma_start3A_11 : memref<1x632x128xf32, #tpu.memory_space<hbm>> -> memref<632x128xf32, #tpu.memory_space<hbm>>
      %dma_start3A_13 = arith.constant 0 : i32
      %dma_start3A_14 = tpu.memref_slice %arg13[%mul3A_0, %dma_start3A_13] : memref<10112x128xf32, #tpu.memory_space<vmem_shared>> -> memref<632x128xf32, #tpu.memory_space<vmem_shared>>
      tpu.enqueue_dma source(%dma_start3A_14 : memref<632x128xf32, #tpu.memory_space<vmem_shared>>) target(%dma_start3A_12 : memref<632x128xf32, #tpu.memory_space<hbm>>) target_semaphore(%run_scoped3A : memref<!tpu.dma_semaphore, #tpu.memory_space<semaphore_mem>>)
      %dma_wait3A = arith.constant 0 : i32
      %dma_wait3A_15 = tpu.memref_slice %arg6[%arg0, %mul3A_0, %dma_wait3A] : memref<2x10112x128xf32, #tpu.memory_space<hbm>> -> memref<1x632x128xf32, #tpu.memory_space<hbm>>
      %dma_wait3A_16 = tpu.memref_squeeze %dma_wait3A_15 : memref<1x632x128xf32, #tpu.memory_space<hbm>> -> memref<632x128xf32, #tpu.memory_space<hbm>>
      %dma_wait3A_17 = arith.constant 0 : i32
      %dma_wait3A_18 = tpu.memref_slice %arg13[%mul3A_0, %dma_wait3A_17] : memref<10112x128xf32, #tpu.memory_space<vmem_shared>> -> memref<632x128xf32, #tpu.memory_space<vmem_shared>>
      tpu.wait_dma2 semaphore(%run_scoped3A : memref<!tpu.dma_semaphore, #tpu.memory_space<semaphore_mem>>) src(%dma_wait3A_18 : memref<632x128xf32, #tpu.memory_space<vmem_shared>>) dst(%dma_wait3A_16 : memref<632x128xf32, #tpu.memory_space<hbm>>)
      tpu.yield
    }) : () -> ()
    return
  }
}

module attributes {stable_mosaic.version = 14 : i64} {
  func.func @_enc_body(%arg0: i32, %arg1: memref<1000x128xf32, #tpu.memory_space<vmem>>, %arg2: memref<1000x1xf32, #tpu.memory_space<vmem>>, %arg3: memref<1000x1xi32, #tpu.memory_space<vmem>>, %arg4: memref<1x1024xf32, #tpu.memory_space<vmem>>, %arg5: memref<1x64xf32, #tpu.memory_space<vmem>>, %arg6: memref<1x64x128xf32, #tpu.memory_space<vmem>>, %arg7: memref<1x64x128xf32, #tpu.memory_space<vmem>>, %arg8: memref<1x1x128xf32, #tpu.memory_space<vmem>>, %arg9: memref<1000x128xf32, #tpu.memory_space<vmem>>) attributes {dimension_semantics = [#tpu.dimension_semantics<arbitrary>], iteration_bounds = array<i64: 20>, scalar_prefetch = 0 : i64, scratch_operands = 0 : i64, tpu.core_type = #tpu.core_type<tc>, window_params = [{transform_indices = @transform_0, window_bounds = array<i64: 1000, 128>}, {transform_indices = @transform_1, window_bounds = array<i64: 1000, 1>}, {transform_indices = @transform_2, window_bounds = array<i64: 1000, 1>}, {pipeline_mode = #tpu.pipeline_mode<synchronous>, transform_indices = @transform_3, window_bounds = array<i64: 1, 1024>}, {pipeline_mode = #tpu.pipeline_mode<synchronous>, transform_indices = @transform_4, window_bounds = array<i64: 1, 64>}, {transform_indices = @transform_5, window_bounds = array<i64: 1, 64, 128>}, {transform_indices = @transform_6, window_bounds = array<i64: 1, 64, 128>}, {transform_indices = @transform_7, window_bounds = array<i64: 1, 1, 128>}, {transform_indices = @transform_8, window_bounds = array<i64: 1000, 128>}]} {
    %get3A = arith.constant 0 : index
    %get3A_0 = arith.constant 0 : index
    %get3A_1 = vector.load %arg3[%get3A, %get3A_0] : memref<1000x1xi32, #tpu.memory_space<vmem>>, vector<1000x1xi32>
    %iota3A = tpu.iota {dimensions = array<i32: 1>} : vector<1x1024xi32>
    %eq3A = vector.broadcast %get3A_1 : vector<1000x1xi32> to vector<1000x1024xi32>
    %eq3A_2 = vector.broadcast %iota3A : vector<1x1024xi32> to vector<1000x1024xi32>
    %eq3A_3 = arith.cmpi eq, %eq3A, %eq3A_2 : vector<1000x1024xi32>
    %get3A_4 = arith.constant 0 : index
    %get3A_5 = arith.constant 0 : index
    %get3A_6 = vector.load %arg4[%get3A_4, %get3A_5] : memref<1x1024xf32, #tpu.memory_space<vmem>>, vector<1x1024xf32>
    %jit3A = arith.constant 0.000000e+00 : f32
    %broadcast_in_dim3A = vector.shape_cast %get3A_6 : vector<1x1024xf32> to vector<1x1024xf32>
    %broadcast_in_dim3A_7 = vector.broadcast %broadcast_in_dim3A : vector<1x1024xf32> to vector<1000x1024xf32>
    %broadcast_in_dim3A_8 = vector.broadcast %jit3A : f32 to vector<1000x1024xf32>
    %select_n3A = arith.select %eq3A_3, %broadcast_in_dim3A_7, %broadcast_in_dim3A_8 : vector<1000x1024xi1>, vector<1000x1024xf32>
    %reduce_sum3A = arith.constant dense<0.000000e+00> : vector<1000xf32>
    %reduce_sum3A_9 = vector.multi_reduction <add>, %select_n3A, %reduce_sum3A [1] : vector<1000x1024xf32> to vector<1000xf32>
    %broadcast_in_dim3A_10 = vector.shape_cast %reduce_sum3A_9 : vector<1000xf32> to vector<1000x1xf32>
    %get3A_11 = arith.constant 0 : index
    %get3A_12 = arith.constant 0 : index
    %get3A_13 = vector.load %arg2[%get3A_11, %get3A_12] : memref<1000x1xf32, #tpu.memory_space<vmem>>, vector<1000x1xf32>
    %sub3A = arith.subf %broadcast_in_dim3A_10, %get3A_13 : vector<1000x1xf32>
    %get3A_14 = arith.constant 0 : index
    %get3A_15 = arith.constant 0 : index
    %get3A_16 = vector.load %arg5[%get3A_14, %get3A_15] : memref<1x64xf32, #tpu.memory_space<vmem>>, vector<1x64xf32>
    %mul3A = vector.broadcast %sub3A : vector<1000x1xf32> to vector<1000x64xf32>
    %mul3A_17 = vector.broadcast %get3A_16 : vector<1x64xf32> to vector<1000x64xf32>
    %mul3A_18 = arith.mulf %mul3A, %mul3A_17 : vector<1000x64xf32>
    %get3A_19 = arith.constant 0 : index
    %get3A_20 = arith.constant 0 : index
    %get3A_21 = vector.load %arg1[%get3A_19, %get3A_20] : memref<1000x128xf32, #tpu.memory_space<vmem>>, vector<1000x128xf32>
    %get3A_22 = arith.constant 0 : index
    %get3A_23 = arith.constant 0 : index
    %get3A_24 = arith.constant 0 : index
    %get3A_25 = vector.load %arg8[%get3A_22, %get3A_23, %get3A_24] : memref<1x1x128xf32, #tpu.memory_space<vmem>>, vector<1x1x128xf32>
    %get3A_26 = vector.shape_cast %get3A_25 : vector<1x1x128xf32> to vector<1x128xf32>
    %add3A = vector.broadcast %get3A_26 : vector<1x128xf32> to vector<1000x128xf32>
    %add3A_27 = arith.addf %get3A_21, %add3A : vector<1000x128xf32>
    %sin3A = math.sin %mul3A_18 : vector<1000x64xf32>
    %get3A_28 = arith.constant 0 : index
    %get3A_29 = arith.constant 0 : index
    %get3A_30 = arith.constant 0 : index
    %get3A_31 = vector.load %arg6[%get3A_28, %get3A_29, %get3A_30] : memref<1x64x128xf32, #tpu.memory_space<vmem>>, vector<1x64x128xf32>
    %get3A_32 = vector.shape_cast %get3A_31 : vector<1x64x128xf32> to vector<64x128xf32>
    %dot_general3A = arith.constant dense<0.000000e+00> : vector<1000x128xf32>
    %dot_general3A_33 = tpu.matmul %sin3A, %get3A_32, %dot_general3A {dimension_numbers = #tpu.dot_dimension_numbers<[1], [0], [0], [1], [0, 0, 1, 1], [], []>, precision = #tpu.contract_precision<fp32>, transpose_lhs_hint = false} : vector<1000x64xf32>, vector<64x128xf32>, vector<1000x128xf32> -> vector<1000x128xf32>
    %add3A_34 = arith.addf %add3A_27, %dot_general3A_33 : vector<1000x128xf32>
    %cos3A = math.cos %mul3A_18 : vector<1000x64xf32>
    %get3A_35 = arith.constant 0 : index
    %get3A_36 = arith.constant 0 : index
    %get3A_37 = arith.constant 0 : index
    %get3A_38 = vector.load %arg7[%get3A_35, %get3A_36, %get3A_37] : memref<1x64x128xf32, #tpu.memory_space<vmem>>, vector<1x64x128xf32>
    %get3A_39 = vector.shape_cast %get3A_38 : vector<1x64x128xf32> to vector<64x128xf32>
    %dot_general3A_40 = arith.constant dense<0.000000e+00> : vector<1000x128xf32>
    %dot_general3A_41 = tpu.matmul %cos3A, %get3A_39, %dot_general3A_40 {dimension_numbers = #tpu.dot_dimension_numbers<[1], [0], [0], [1], [0, 0, 1, 1], [], []>, precision = #tpu.contract_precision<fp32>, transpose_lhs_hint = false} : vector<1000x64xf32>, vector<64x128xf32>, vector<1000x128xf32> -> vector<1000x128xf32>
    %add3A_42 = arith.addf %add3A_34, %dot_general3A_41 : vector<1000x128xf32>
    %swap3A = arith.constant 0 : index
    %swap3A_43 = arith.constant 0 : index
    %swap3A_44 = vector.load %arg9[%swap3A, %swap3A_43] : memref<1000x128xf32, #tpu.memory_space<vmem>>, vector<1000x128xf32>
    tpu.vector_store %arg9[%swap3A, %swap3A_43], %add3A_42 {strides = array<i32>} : memref<1000x128xf32, #tpu.memory_space<vmem>>, vector<1000x128xf32>,
    return
  }
  func.func @transform_0(%arg0: i32) -> (i32, i32) {
    %c0_i32 = arith.constant 0 : i32
    %c0_i32_0 = arith.constant 0 : i32
    return %arg0, %c0_i32 : i32, i32
  }
  func.func @transform_1(%arg0: i32) -> (i32, i32) {
    %c0_i32 = arith.constant 0 : i32
    %c0_i32_0 = arith.constant 0 : i32
    return %arg0, %c0_i32 : i32, i32
  }
  func.func @transform_2(%arg0: i32) -> (i32, i32) {
    %c0_i32 = arith.constant 0 : i32
    %c0_i32_0 = arith.constant 0 : i32
    return %arg0, %c0_i32 : i32, i32
  }
  func.func @transform_3(%arg0: i32) -> (i32, i32) {
    %c0_i32 = arith.constant 0 : i32
    %c0_i32_0 = arith.constant 0 : i32
    %c0_i32_1 = arith.constant 0 : i32
    return %c0_i32, %c0_i32_0 : i32, i32
  }
  func.func @transform_4(%arg0: i32) -> (i32, i32) {
    %c0_i32 = arith.constant 0 : i32
    %c0_i32_0 = arith.constant 0 : i32
    %c0_i32_1 = arith.constant 0 : i32
    return %c0_i32, %c0_i32_0 : i32, i32
  }
  func.func @transform_5(%arg0: i32) -> (i32, i32, i32) {
    %jit3A = arith.constant 10 : i32
    %div3A = arith.divsi %arg0, %jit3A : i32
    %sign3A = arith.constant 0 : i32
    %sign3A_0 = arith.cmpi sgt, %arg0, %sign3A : i32
    %sign3A_1 = arith.extui %sign3A_0 : i1 to i32
    %sign3A_2 = arith.constant 0 : i32
    %sign3A_3 = arith.cmpi slt, %arg0, %sign3A_2 : i32
    %sign3A_4 = arith.extui %sign3A_3 : i1 to i32
    %sign3A_5 = arith.subi %sign3A_1, %sign3A_4 : i32
    %sign3A_6 = arith.constant 0 : i32
    %sign3A_7 = arith.cmpi sgt, %jit3A, %sign3A_6 : i32
    %sign3A_8 = arith.extui %sign3A_7 : i1 to i32
    %sign3A_9 = arith.constant 0 : i32
    %sign3A_10 = arith.cmpi slt, %jit3A, %sign3A_9 : i32
    %sign3A_11 = arith.extui %sign3A_10 : i1 to i32
    %sign3A_12 = arith.subi %sign3A_8, %sign3A_11 : i32
    %ne3A = arith.cmpi ne, %sign3A_5, %sign3A_12 : i32
    %rem3A = arith.remsi %arg0, %jit3A : i32
    %ne3A_13 = arith.constant 0 : i32
    %ne3A_14 = arith.cmpi ne, %rem3A, %ne3A_13 : i32
    %and3A = arith.andi %ne3A, %ne3A_14 : i1
    %sub3A = arith.constant 1 : i32
    %sub3A_15 = arith.subi %div3A, %sub3A : i32
    %select_n3A = arith.select %and3A, %sub3A_15, %div3A : i32
    %c0_i32 = arith.constant 0 : i32
    %c0_i32_16 = arith.constant 0 : i32
    %c0_i32_17 = arith.constant 0 : i32
    return %select_n3A, %c0_i32, %c0_i32_16 : i32, i32, i32
  }
  func.func @transform_6(%arg0: i32) -> (i32, i32, i32) {
    %jit3A = arith.constant 10 : i32
    %div3A = arith.divsi %arg0, %jit3A : i32
    %sign3A = arith.constant 0 : i32
    %sign3A_0 = arith.cmpi sgt, %arg0, %sign3A : i32
    %sign3A_1 = arith.extui %sign3A_0 : i1 to i32
    %sign3A_2 = arith.constant 0 : i32
    %sign3A_3 = arith.cmpi slt, %arg0, %sign3A_2 : i32
    %sign3A_4 = arith.extui %sign3A_3 : i1 to i32
    %sign3A_5 = arith.subi %sign3A_1, %sign3A_4 : i32
    %sign3A_6 = arith.constant 0 : i32
    %sign3A_7 = arith.cmpi sgt, %jit3A, %sign3A_6 : i32
    %sign3A_8 = arith.extui %sign3A_7 : i1 to i32
    %sign3A_9 = arith.constant 0 : i32
    %sign3A_10 = arith.cmpi slt, %jit3A, %sign3A_9 : i32
    %sign3A_11 = arith.extui %sign3A_10 : i1 to i32
    %sign3A_12 = arith.subi %sign3A_8, %sign3A_11 : i32
    %ne3A = arith.cmpi ne, %sign3A_5, %sign3A_12 : i32
    %rem3A = arith.remsi %arg0, %jit3A : i32
    %ne3A_13 = arith.constant 0 : i32
    %ne3A_14 = arith.cmpi ne, %rem3A, %ne3A_13 : i32
    %and3A = arith.andi %ne3A, %ne3A_14 : i1
    %sub3A = arith.constant 1 : i32
    %sub3A_15 = arith.subi %div3A, %sub3A : i32
    %select_n3A = arith.select %and3A, %sub3A_15, %div3A : i32
    %c0_i32 = arith.constant 0 : i32
    %c0_i32_16 = arith.constant 0 : i32
    %c0_i32_17 = arith.constant 0 : i32
    return %select_n3A, %c0_i32, %c0_i32_16 : i32, i32, i32
  }
  func.func @transform_7(%arg0: i32) -> (i32, i32, i32) {
    %jit3A = arith.constant 10 : i32
    %div3A = arith.divsi %arg0, %jit3A : i32
    %sign3A = arith.constant 0 : i32
    %sign3A_0 = arith.cmpi sgt, %arg0, %sign3A : i32
    %sign3A_1 = arith.extui %sign3A_0 : i1 to i32
    %sign3A_2 = arith.constant 0 : i32
    %sign3A_3 = arith.cmpi slt, %arg0, %sign3A_2 : i32
    %sign3A_4 = arith.extui %sign3A_3 : i1 to i32
    %sign3A_5 = arith.subi %sign3A_1, %sign3A_4 : i32
    %sign3A_6 = arith.constant 0 : i32
    %sign3A_7 = arith.cmpi sgt, %jit3A, %sign3A_6 : i32
    %sign3A_8 = arith.extui %sign3A_7 : i1 to i32
    %sign3A_9 = arith.constant 0 : i32
    %sign3A_10 = arith.cmpi slt, %jit3A, %sign3A_9 : i32
    %sign3A_11 = arith.extui %sign3A_10 : i1 to i32
    %sign3A_12 = arith.subi %sign3A_8, %sign3A_11 : i32
    %ne3A = arith.cmpi ne, %sign3A_5, %sign3A_12 : i32
    %rem3A = arith.remsi %arg0, %jit3A : i32
    %ne3A_13 = arith.constant 0 : i32
    %ne3A_14 = arith.cmpi ne, %rem3A, %ne3A_13 : i32
    %and3A = arith.andi %ne3A, %ne3A_14 : i1
    %sub3A = arith.constant 1 : i32
    %sub3A_15 = arith.subi %div3A, %sub3A : i32
    %select_n3A = arith.select %and3A, %sub3A_15, %div3A : i32
    %c0_i32 = arith.constant 0 : i32
    %c0_i32_16 = arith.constant 0 : i32
    %c0_i32_17 = arith.constant 0 : i32
    return %select_n3A, %c0_i32, %c0_i32_16 : i32, i32, i32
  }
  func.func @transform_8(%arg0: i32) -> (i32, i32) {
    %c0_i32 = arith.constant 0 : i32
    %c0_i32_0 = arith.constant 0 : i32
    return %arg0, %c0_i32 : i32, i32
  }
}

module attributes {stable_mosaic.version = 14 : i64} {
  func.func @_combine_body(%arg0: i32, %arg1: memref<1000x128xf32, #tpu.memory_space<vmem>>, %arg2: memref<1000x1xf32, #tpu.memory_space<vmem>>, %arg3: memref<1000x128xf32, #tpu.memory_space<vmem>>, %arg4: memref<1x128x128xf32, #tpu.memory_space<vmem>>, %arg5: memref<1x128x128xf32, #tpu.memory_space<vmem>>, %arg6: memref<1x1x128xf32, #tpu.memory_space<vmem>>, %arg7: memref<1000x128xf32, #tpu.memory_space<vmem>>) attributes {dimension_semantics = [#tpu.dimension_semantics<arbitrary>], iteration_bounds = array<i64: 20>, scalar_prefetch = 0 : i64, scratch_operands = 0 : i64, tpu.core_type = #tpu.core_type<tc>, window_params = [{transform_indices = @transform_0, window_bounds = array<i64: 1000, 128>}, {transform_indices = @transform_1, window_bounds = array<i64: 1000, 1>}, {transform_indices = @transform_2, window_bounds = array<i64: 1000, 128>}, {transform_indices = @transform_3, window_bounds = array<i64: 1, 128, 128>}, {transform_indices = @transform_4, window_bounds = array<i64: 1, 128, 128>}, {transform_indices = @transform_5, window_bounds = array<i64: 1, 1, 128>}, {transform_indices = @transform_6, window_bounds = array<i64: 1000, 128>}]} {
    %get3A = arith.constant 0 : index
    %get3A_0 = arith.constant 0 : index
    %get3A_1 = vector.load %arg1[%get3A, %get3A_0] : memref<1000x128xf32, #tpu.memory_space<vmem>>, vector<1000x128xf32>
    %get3A_2 = arith.constant 0 : index
    %get3A_3 = arith.constant 0 : index
    %get3A_4 = vector.load %arg2[%get3A_2, %get3A_3] : memref<1000x1xf32, #tpu.memory_space<vmem>>, vector<1000x1xf32>
    %max3A = arith.constant 1.000000e+00 : f32
    %max3A_5 = vector.broadcast %max3A : f32 to vector<1000x1xf32>
    %max3A_6 = arith.maximumf %get3A_4, %max3A_5 : vector<1000x1xf32>
    %div3A = vector.broadcast %max3A_6 : vector<1000x1xf32> to vector<1000x128xf32>
    %div3A_7 = arith.divf %get3A_1, %div3A : vector<1000x128xf32>
    %get3A_8 = arith.constant 0 : index
    %get3A_9 = arith.constant 0 : index
    %get3A_10 = arith.constant 0 : index
    %get3A_11 = vector.load %arg4[%get3A_8, %get3A_9, %get3A_10] : memref<1x128x128xf32, #tpu.memory_space<vmem>>, vector<1x128x128xf32>
    %get3A_12 = vector.shape_cast %get3A_11 : vector<1x128x128xf32> to vector<128x128xf32>
    %dot_general3A = arith.constant dense<0.000000e+00> : vector<1000x128xf32>
    %dot_general3A_13 = tpu.matmul %div3A_7, %get3A_12, %dot_general3A {dimension_numbers = #tpu.dot_dimension_numbers<[1], [0], [0], [1], [0, 0, 1, 1], [], []>, precision = #tpu.contract_precision<fp32>, transpose_lhs_hint = false} : vector<1000x128xf32>, vector<128x128xf32>, vector<1000x128xf32> -> vector<1000x128xf32>
    %get3A_14 = arith.constant 0 : index
    %get3A_15 = arith.constant 0 : index
    %get3A_16 = vector.load %arg3[%get3A_14, %get3A_15] : memref<1000x128xf32, #tpu.memory_space<vmem>>, vector<1000x128xf32>
    %get3A_17 = arith.constant 0 : index
    %get3A_18 = arith.constant 0 : index
    %get3A_19 = arith.constant 0 : index
    %get3A_20 = vector.load %arg5[%get3A_17, %get3A_18, %get3A_19] : memref<1x128x128xf32, #tpu.memory_space<vmem>>, vector<1x128x128xf32>
    %get3A_21 = vector.shape_cast %get3A_20 : vector<1x128x128xf32> to vector<128x128xf32>
    %dot_general3A_22 = arith.constant dense<0.000000e+00> : vector<1000x128xf32>
    %dot_general3A_23 = tpu.matmul %get3A_16, %get3A_21, %dot_general3A_22 {dimension_numbers = #tpu.dot_dimension_numbers<[1], [0], [0], [1], [0, 0, 1, 1], [], []>, precision = #tpu.contract_precision<fp32>, transpose_lhs_hint = false} : vector<1000x128xf32>, vector<128x128xf32>, vector<1000x128xf32> -> vector<1000x128xf32>
    %add3A = arith.addf %dot_general3A_13, %dot_general3A_23 : vector<1000x128xf32>
    %get3A_24 = arith.constant 0 : index
    %get3A_25 = arith.constant 0 : index
    %get3A_26 = arith.constant 0 : index
    %get3A_27 = vector.load %arg6[%get3A_24, %get3A_25, %get3A_26] : memref<1x1x128xf32, #tpu.memory_space<vmem>>, vector<1x1x128xf32>
    %get3A_28 = vector.shape_cast %get3A_27 : vector<1x1x128xf32> to vector<1x128xf32>
    %add3A_29 = vector.broadcast %get3A_28 : vector<1x128xf32> to vector<1000x128xf32>
    %add3A_30 = arith.addf %add3A, %add3A_29 : vector<1000x128xf32>
    %max3A_31 = arith.constant 0.000000e+00 : f32
    %max3A_32 = vector.broadcast %max3A_31 : f32 to vector<1000x128xf32>
    %max3A_33 = arith.maximumf %add3A_30, %max3A_32 : vector<1000x128xf32>
    %swap3A = arith.constant 0 : index
    %swap3A_34 = arith.constant 0 : index
    %swap3A_35 = vector.load %arg7[%swap3A, %swap3A_34] : memref<1000x128xf32, #tpu.memory_space<vmem>>, vector<1000x128xf32>
    tpu.vector_store %arg7[%swap3A, %swap3A_34], %max3A_33 {strides = array<i32>} : memref<1000x128xf32, #tpu.memory_space<vmem>>, vector<1000x128xf32>,
    return
  }
  func.func @transform_0(%arg0: i32) -> (i32, i32) {
    %c0_i32 = arith.constant 0 : i32
    %c0_i32_0 = arith.constant 0 : i32
    return %arg0, %c0_i32 : i32, i32
  }
  func.func @transform_1(%arg0: i32) -> (i32, i32) {
    %c0_i32 = arith.constant 0 : i32
    %c0_i32_0 = arith.constant 0 : i32
    return %arg0, %c0_i32 : i32, i32
  }
  func.func @transform_2(%arg0: i32) -> (i32, i32) {
    %c0_i32 = arith.constant 0 : i32
    %c0_i32_0 = arith.constant 0 : i32
    return %arg0, %c0_i32 : i32, i32
  }
  func.func @transform_3(%arg0: i32) -> (i32, i32, i32) {
    %jit3A = arith.constant 10 : i32
    %div3A = arith.divsi %arg0, %jit3A : i32
    %sign3A = arith.constant 0 : i32
    %sign3A_0 = arith.cmpi sgt, %arg0, %sign3A : i32
    %sign3A_1 = arith.extui %sign3A_0 : i1 to i32
    %sign3A_2 = arith.constant 0 : i32
    %sign3A_3 = arith.cmpi slt, %arg0, %sign3A_2 : i32
    %sign3A_4 = arith.extui %sign3A_3 : i1 to i32
    %sign3A_5 = arith.subi %sign3A_1, %sign3A_4 : i32
    %sign3A_6 = arith.constant 0 : i32
    %sign3A_7 = arith.cmpi sgt, %jit3A, %sign3A_6 : i32
    %sign3A_8 = arith.extui %sign3A_7 : i1 to i32
    %sign3A_9 = arith.constant 0 : i32
    %sign3A_10 = arith.cmpi slt, %jit3A, %sign3A_9 : i32
    %sign3A_11 = arith.extui %sign3A_10 : i1 to i32
    %sign3A_12 = arith.subi %sign3A_8, %sign3A_11 : i32
    %ne3A = arith.cmpi ne, %sign3A_5, %sign3A_12 : i32
    %rem3A = arith.remsi %arg0, %jit3A : i32
    %ne3A_13 = arith.constant 0 : i32
    %ne3A_14 = arith.cmpi ne, %rem3A, %ne3A_13 : i32
    %and3A = arith.andi %ne3A, %ne3A_14 : i1
    %sub3A = arith.constant 1 : i32
    %sub3A_15 = arith.subi %div3A, %sub3A : i32
    %select_n3A = arith.select %and3A, %sub3A_15, %div3A : i32
    %c0_i32 = arith.constant 0 : i32
    %c0_i32_16 = arith.constant 0 : i32
    %c0_i32_17 = arith.constant 0 : i32
    return %select_n3A, %c0_i32, %c0_i32_16 : i32, i32, i32
  }
  func.func @transform_4(%arg0: i32) -> (i32, i32, i32) {
    %jit3A = arith.constant 10 : i32
    %div3A = arith.divsi %arg0, %jit3A : i32
    %sign3A = arith.constant 0 : i32
    %sign3A_0 = arith.cmpi sgt, %arg0, %sign3A : i32
    %sign3A_1 = arith.extui %sign3A_0 : i1 to i32
    %sign3A_2 = arith.constant 0 : i32
    %sign3A_3 = arith.cmpi slt, %arg0, %sign3A_2 : i32
    %sign3A_4 = arith.extui %sign3A_3 : i1 to i32
    %sign3A_5 = arith.subi %sign3A_1, %sign3A_4 : i32
    %sign3A_6 = arith.constant 0 : i32
    %sign3A_7 = arith.cmpi sgt, %jit3A, %sign3A_6 : i32
    %sign3A_8 = arith.extui %sign3A_7 : i1 to i32
    %sign3A_9 = arith.constant 0 : i32
    %sign3A_10 = arith.cmpi slt, %jit3A, %sign3A_9 : i32
    %sign3A_11 = arith.extui %sign3A_10 : i1 to i32
    %sign3A_12 = arith.subi %sign3A_8, %sign3A_11 : i32
    %ne3A = arith.cmpi ne, %sign3A_5, %sign3A_12 : i32
    %rem3A = arith.remsi %arg0, %jit3A : i32
    %ne3A_13 = arith.constant 0 : i32
    %ne3A_14 = arith.cmpi ne, %rem3A, %ne3A_13 : i32
    %and3A = arith.andi %ne3A, %ne3A_14 : i1
    %sub3A = arith.constant 1 : i32
    %sub3A_15 = arith.subi %div3A, %sub3A : i32
    %select_n3A = arith.select %and3A, %sub3A_15, %div3A : i32
    %c0_i32 = arith.constant 0 : i32
    %c0_i32_16 = arith.constant 0 : i32
    %c0_i32_17 = arith.constant 0 : i32
    return %select_n3A, %c0_i32, %c0_i32_16 : i32, i32, i32
  }
  func.func @transform_5(%arg0: i32) -> (i32, i32, i32) {
    %jit3A = arith.constant 10 : i32
    %div3A = arith.divsi %arg0, %jit3A : i32
    %sign3A = arith.constant 0 : i32
    %sign3A_0 = arith.cmpi sgt, %arg0, %sign3A : i32
    %sign3A_1 = arith.extui %sign3A_0 : i1 to i32
    %sign3A_2 = arith.constant 0 : i32
    %sign3A_3 = arith.cmpi slt, %arg0, %sign3A_2 : i32
    %sign3A_4 = arith.extui %sign3A_3 : i1 to i32
    %sign3A_5 = arith.subi %sign3A_1, %sign3A_4 : i32
    %sign3A_6 = arith.constant 0 : i32
    %sign3A_7 = arith.cmpi sgt, %jit3A, %sign3A_6 : i32
    %sign3A_8 = arith.extui %sign3A_7 : i1 to i32
    %sign3A_9 = arith.constant 0 : i32
    %sign3A_10 = arith.cmpi slt, %jit3A, %sign3A_9 : i32
    %sign3A_11 = arith.extui %sign3A_10 : i1 to i32
    %sign3A_12 = arith.subi %sign3A_8, %sign3A_11 : i32
    %ne3A = arith.cmpi ne, %sign3A_5, %sign3A_12 : i32
    %rem3A = arith.remsi %arg0, %jit3A : i32
    %ne3A_13 = arith.constant 0 : i32
    %ne3A_14 = arith.cmpi ne, %rem3A, %ne3A_13 : i32
    %and3A = arith.andi %ne3A, %ne3A_14 : i1
    %sub3A = arith.constant 1 : i32
    %sub3A_15 = arith.subi %div3A, %sub3A : i32
    %select_n3A = arith.select %and3A, %sub3A_15, %div3A : i32
    %c0_i32 = arith.constant 0 : i32
    %c0_i32_16 = arith.constant 0 : i32
    %c0_i32_17 = arith.constant 0 : i32
    return %select_n3A, %c0_i32, %c0_i32_16 : i32, i32, i32
  }
  func.func @transform_6(%arg0: i32) -> (i32, i32) {
    %c0_i32 = arith.constant 0 : i32
    %c0_i32_0 = arith.constant 0 : i32
    return %arg0, %c0_i32 : i32, i32
  }
}

module attributes {stable_mosaic.version = 14 : i64} {
  func.func @_combine_body(%arg0: i32, %arg1: memref<1000x128xf32, #tpu.memory_space<vmem>>, %arg2: memref<1000x1xf32, #tpu.memory_space<vmem>>, %arg3: memref<1000x128xf32, #tpu.memory_space<vmem>>, %arg4: memref<1x128x128xf32, #tpu.memory_space<vmem>>, %arg5: memref<1x128x128xf32, #tpu.memory_space<vmem>>, %arg6: memref<1x1x128xf32, #tpu.memory_space<vmem>>, %arg7: memref<1000x128xf32, #tpu.memory_space<vmem>>) attributes {dimension_semantics = [#tpu.dimension_semantics<arbitrary>], iteration_bounds = array<i64: 20>, scalar_prefetch = 0 : i64, scratch_operands = 0 : i64, tpu.core_type = #tpu.core_type<tc>, window_params = [{transform_indices = @transform_0, window_bounds = array<i64: 1000, 128>}, {transform_indices = @transform_1, window_bounds = array<i64: 1000, 1>}, {transform_indices = @transform_2, window_bounds = array<i64: 1000, 128>}, {transform_indices = @transform_3, window_bounds = array<i64: 1, 128, 128>}, {transform_indices = @transform_4, window_bounds = array<i64: 1, 128, 128>}, {transform_indices = @transform_5, window_bounds = array<i64: 1, 1, 128>}, {transform_indices = @transform_6, window_bounds = array<i64: 1000, 128>}]} {
    %get3A = arith.constant 0 : index
    %get3A_0 = arith.constant 0 : index
    %get3A_1 = vector.load %arg1[%get3A, %get3A_0] : memref<1000x128xf32, #tpu.memory_space<vmem>>, vector<1000x128xf32>
    %get3A_2 = arith.constant 0 : index
    %get3A_3 = arith.constant 0 : index
    %get3A_4 = vector.load %arg2[%get3A_2, %get3A_3] : memref<1000x1xf32, #tpu.memory_space<vmem>>, vector<1000x1xf32>
    %max3A = arith.constant 1.000000e+00 : f32
    %max3A_5 = vector.broadcast %max3A : f32 to vector<1000x1xf32>
    %max3A_6 = arith.maximumf %get3A_4, %max3A_5 : vector<1000x1xf32>
    %div3A = vector.broadcast %max3A_6 : vector<1000x1xf32> to vector<1000x128xf32>
    %div3A_7 = arith.divf %get3A_1, %div3A : vector<1000x128xf32>
    %get3A_8 = arith.constant 0 : index
    %get3A_9 = arith.constant 0 : index
    %get3A_10 = arith.constant 0 : index
    %get3A_11 = vector.load %arg4[%get3A_8, %get3A_9, %get3A_10] : memref<1x128x128xf32, #tpu.memory_space<vmem>>, vector<1x128x128xf32>
    %get3A_12 = vector.shape_cast %get3A_11 : vector<1x128x128xf32> to vector<128x128xf32>
    %dot_general3A = arith.constant dense<0.000000e+00> : vector<1000x128xf32>
    %dot_general3A_13 = tpu.matmul %div3A_7, %get3A_12, %dot_general3A {dimension_numbers = #tpu.dot_dimension_numbers<[1], [0], [0], [1], [0, 0, 1, 1], [], []>, precision = #tpu.contract_precision<fp32>, transpose_lhs_hint = false} : vector<1000x128xf32>, vector<128x128xf32>, vector<1000x128xf32> -> vector<1000x128xf32>
    %get3A_14 = arith.constant 0 : index
    %get3A_15 = arith.constant 0 : index
    %get3A_16 = vector.load %arg3[%get3A_14, %get3A_15] : memref<1000x128xf32, #tpu.memory_space<vmem>>, vector<1000x128xf32>
    %get3A_17 = arith.constant 0 : index
    %get3A_18 = arith.constant 0 : index
    %get3A_19 = arith.constant 0 : index
    %get3A_20 = vector.load %arg5[%get3A_17, %get3A_18, %get3A_19] : memref<1x128x128xf32, #tpu.memory_space<vmem>>, vector<1x128x128xf32>
    %get3A_21 = vector.shape_cast %get3A_20 : vector<1x128x128xf32> to vector<128x128xf32>
    %dot_general3A_22 = arith.constant dense<0.000000e+00> : vector<1000x128xf32>
    %dot_general3A_23 = tpu.matmul %get3A_16, %get3A_21, %dot_general3A_22 {dimension_numbers = #tpu.dot_dimension_numbers<[1], [0], [0], [1], [0, 0, 1, 1], [], []>, precision = #tpu.contract_precision<fp32>, transpose_lhs_hint = false} : vector<1000x128xf32>, vector<128x128xf32>, vector<1000x128xf32> -> vector<1000x128xf32>
    %add3A = arith.addf %dot_general3A_13, %dot_general3A_23 : vector<1000x128xf32>
    %get3A_24 = arith.constant 0 : index
    %get3A_25 = arith.constant 0 : index
    %get3A_26 = arith.constant 0 : index
    %get3A_27 = vector.load %arg6[%get3A_24, %get3A_25, %get3A_26] : memref<1x1x128xf32, #tpu.memory_space<vmem>>, vector<1x1x128xf32>
    %get3A_28 = vector.shape_cast %get3A_27 : vector<1x1x128xf32> to vector<1x128xf32>
    %add3A_29 = vector.broadcast %get3A_28 : vector<1x128xf32> to vector<1000x128xf32>
    %add3A_30 = arith.addf %add3A, %add3A_29 : vector<1000x128xf32>
    %swap3A = arith.constant 0 : index
    %swap3A_31 = arith.constant 0 : index
    %swap3A_32 = vector.load %arg7[%swap3A, %swap3A_31] : memref<1000x128xf32, #tpu.memory_space<vmem>>, vector<1000x128xf32>
    tpu.vector_store %arg7[%swap3A, %swap3A_31], %add3A_30 {strides = array<i32>} : memref<1000x128xf32, #tpu.memory_space<vmem>>, vector<1000x128xf32>,
    return
  }
  func.func @transform_0(%arg0: i32) -> (i32, i32) {
    %c0_i32 = arith.constant 0 : i32
    %c0_i32_0 = arith.constant 0 : i32
    return %arg0, %c0_i32 : i32, i32
  }
  func.func @transform_1(%arg0: i32) -> (i32, i32) {
    %c0_i32 = arith.constant 0 : i32
    %c0_i32_0 = arith.constant 0 : i32
    return %arg0, %c0_i32 : i32, i32
  }
  func.func @transform_2(%arg0: i32) -> (i32, i32) {
    %c0_i32 = arith.constant 0 : i32
    %c0_i32_0 = arith.constant 0 : i32
    return %arg0, %c0_i32 : i32, i32
  }
  func.func @transform_3(%arg0: i32) -> (i32, i32, i32) {
    %jit3A = arith.constant 10 : i32
    %div3A = arith.divsi %arg0, %jit3A : i32
    %sign3A = arith.constant 0 : i32
    %sign3A_0 = arith.cmpi sgt, %arg0, %sign3A : i32
    %sign3A_1 = arith.extui %sign3A_0 : i1 to i32
    %sign3A_2 = arith.constant 0 : i32
    %sign3A_3 = arith.cmpi slt, %arg0, %sign3A_2 : i32
    %sign3A_4 = arith.extui %sign3A_3 : i1 to i32
    %sign3A_5 = arith.subi %sign3A_1, %sign3A_4 : i32
    %sign3A_6 = arith.constant 0 : i32
    %sign3A_7 = arith.cmpi sgt, %jit3A, %sign3A_6 : i32
    %sign3A_8 = arith.extui %sign3A_7 : i1 to i32
    %sign3A_9 = arith.constant 0 : i32
    %sign3A_10 = arith.cmpi slt, %jit3A, %sign3A_9 : i32
    %sign3A_11 = arith.extui %sign3A_10 : i1 to i32
    %sign3A_12 = arith.subi %sign3A_8, %sign3A_11 : i32
    %ne3A = arith.cmpi ne, %sign3A_5, %sign3A_12 : i32
    %rem3A = arith.remsi %arg0, %jit3A : i32
    %ne3A_13 = arith.constant 0 : i32
    %ne3A_14 = arith.cmpi ne, %rem3A, %ne3A_13 : i32
    %and3A = arith.andi %ne3A, %ne3A_14 : i1
    %sub3A = arith.constant 1 : i32
    %sub3A_15 = arith.subi %div3A, %sub3A : i32
    %select_n3A = arith.select %and3A, %sub3A_15, %div3A : i32
    %c0_i32 = arith.constant 0 : i32
    %c0_i32_16 = arith.constant 0 : i32
    %c0_i32_17 = arith.constant 0 : i32
    return %select_n3A, %c0_i32, %c0_i32_16 : i32, i32, i32
  }
  func.func @transform_4(%arg0: i32) -> (i32, i32, i32) {
    %jit3A = arith.constant 10 : i32
    %div3A = arith.divsi %arg0, %jit3A : i32
    %sign3A = arith.constant 0 : i32
    %sign3A_0 = arith.cmpi sgt, %arg0, %sign3A : i32
    %sign3A_1 = arith.extui %sign3A_0 : i1 to i32
    %sign3A_2 = arith.constant 0 : i32
    %sign3A_3 = arith.cmpi slt, %arg0, %sign3A_2 : i32
    %sign3A_4 = arith.extui %sign3A_3 : i1 to i32
    %sign3A_5 = arith.subi %sign3A_1, %sign3A_4 : i32
    %sign3A_6 = arith.constant 0 : i32
    %sign3A_7 = arith.cmpi sgt, %jit3A, %sign3A_6 : i32
    %sign3A_8 = arith.extui %sign3A_7 : i1 to i32
    %sign3A_9 = arith.constant 0 : i32
    %sign3A_10 = arith.cmpi slt, %jit3A, %sign3A_9 : i32
    %sign3A_11 = arith.extui %sign3A_10 : i1 to i32
    %sign3A_12 = arith.subi %sign3A_8, %sign3A_11 : i32
    %ne3A = arith.cmpi ne, %sign3A_5, %sign3A_12 : i32
    %rem3A = arith.remsi %arg0, %jit3A : i32
    %ne3A_13 = arith.constant 0 : i32
    %ne3A_14 = arith.cmpi ne, %rem3A, %ne3A_13 : i32
    %and3A = arith.andi %ne3A, %ne3A_14 : i1
    %sub3A = arith.constant 1 : i32
    %sub3A_15 = arith.subi %div3A, %sub3A : i32
    %select_n3A = arith.select %and3A, %sub3A_15, %div3A : i32
    %c0_i32 = arith.constant 0 : i32
    %c0_i32_16 = arith.constant 0 : i32
    %c0_i32_17 = arith.constant 0 : i32
    return %select_n3A, %c0_i32, %c0_i32_16 : i32, i32, i32
  }
  func.func @transform_5(%arg0: i32) -> (i32, i32, i32) {
    %jit3A = arith.constant 10 : i32
    %div3A = arith.divsi %arg0, %jit3A : i32
    %sign3A = arith.constant 0 : i32
    %sign3A_0 = arith.cmpi sgt, %arg0, %sign3A : i32
    %sign3A_1 = arith.extui %sign3A_0 : i1 to i32
    %sign3A_2 = arith.constant 0 : i32
    %sign3A_3 = arith.cmpi slt, %arg0, %sign3A_2 : i32
    %sign3A_4 = arith.extui %sign3A_3 : i1 to i32
    %sign3A_5 = arith.subi %sign3A_1, %sign3A_4 : i32
    %sign3A_6 = arith.constant 0 : i32
    %sign3A_7 = arith.cmpi sgt, %jit3A, %sign3A_6 : i32
    %sign3A_8 = arith.extui %sign3A_7 : i1 to i32
    %sign3A_9 = arith.constant 0 : i32
    %sign3A_10 = arith.cmpi slt, %jit3A, %sign3A_9 : i32
    %sign3A_11 = arith.extui %sign3A_10 : i1 to i32
    %sign3A_12 = arith.subi %sign3A_8, %sign3A_11 : i32
    %ne3A = arith.cmpi ne, %sign3A_5, %sign3A_12 : i32
    %rem3A = arith.remsi %arg0, %jit3A : i32
    %ne3A_13 = arith.constant 0 : i32
    %ne3A_14 = arith.cmpi ne, %rem3A, %ne3A_13 : i32
    %and3A = arith.andi %ne3A, %ne3A_14 : i1
    %sub3A = arith.constant 1 : i32
    %sub3A_15 = arith.subi %div3A, %sub3A : i32
    %select_n3A = arith.select %and3A, %sub3A_15, %div3A : i32
    %c0_i32 = arith.constant 0 : i32
    %c0_i32_16 = arith.constant 0 : i32
    %c0_i32_17 = arith.constant 0 : i32
    return %select_n3A, %c0_i32, %c0_i32_16 : i32, i32, i32
  }
  func.func @transform_6(%arg0: i32) -> (i32, i32) {
    %c0_i32 = arith.constant 0 : i32
    %c0_i32_0 = arith.constant 0 : i32
    return %arg0, %c0_i32 : i32, i32
  }
}

</mosaic_0001>

<sc_bundles>
// kernel: kernel.11.cloned.1.call-start
scs
__scs_entry_jumppad:
0x0: {  	(pc) =	sbr.rel $0x88, $3  }
0x1: {  	(tag) =	ssettag $0x0;
	lr =	simm.s32 $0x1  }
0x2: {  	[smem:$0x3F88] =	sst lr;
	_ =	strace $0xD0000000  }
0x3: {  	_ = 	snop  }
0x4: {  	_ = 	snop  }
0x5: {  	_ = 	snop  }
0x6: {  	_ = 	snop  }
0x7: {  	_ = 	snop  }
__scs_overlays_trampoline_lowered:
0x8: {  	[smem:$0x3F97] =	sst s0  }
0x9: {  	[smem:$0x3F98] =	sst s1  }
0xa: {  	[smem:$0x3F99] =	sst s2  }
0xb: {  	[smem:$0x3F9A] =	sst s3  }
0xc: {  	[smem:$0x3F9B] =	sst s4  }
0xd: {  	[smem:$0x3F9C] =	sst s5  }
0xe: {  	[smem:$0x3F9D] =	sst s6  }
0xf: {  	[smem:$0x3F9E] =	sst s7  }
0x10: {  	[smem:$0x3F9F] =	sst s8  }
0x11: {  	[smem:$0x3FA0] =	sst s9;
	s0 =	simm.s32 @!p0 $0x0  }
0x12: {  	s1 =	sld [smem:$0x3F86];
	s0 =	simm.s32 @p0 $0x1  }
0x13: {  	[smem:$0x3FA1] =	sst s0;
	s0 =	simm.s32 @!p1 $0x0  }
0x14: {  	s2 =	sld [smem:$0x3F85];
	s0 =	simm.s32 @p1 $0x1  }
0x15: {  	[smem:$0x3FA2] =	sst s0;
	s0 =	simm.s32 @!p2 $0x0  }
0x16: {  	s3 =	sld [smem:$0x3FDB];
	s0 =	simm.s32 @p2 $0x1  }
0x17: {  	s4 =	simm.s32 $0x1BF5;
	[smem:$0x3FA4] =	sst s0  }
0x18: {  	s0 =	sld [smem:$0x3F87];
	_ =	swait.ge [sflag:s4], $0x0  }
0x19: {  	s7 =	sld [smem:$0x3F88]  }
0x1a: {  	s8 =	sadd.s32 $0xFFFFE003, lr  }
0x1b: {  	s9 =	sadd.s32 $0xFFFFFEF7, lr;
	s5 =	simm.s32 $0xFFFFFFFF;
	p2 =	slt.u32 s8, $0xFFFFF086  }
0x1c: {  	p1 =	slt.u32 s9, $0xF7A;
	s5 =	simm.s32 @!p2 $0x0  }
0x1d: {  	s5 =	simm.s32 @p1 $0x1;
	p0 =	seq.s32 s7, s2  }
0x1e: {  	s7 =	smul.u32 @!p0 $0xF7A, s2;
	p2 =	seq.s32 @!p0 s5, $0x0  }
0x1f: {  	s9 =	smul.u32 $0xF7A, s1;
	s8 =	simm.s32 @!p0 $0x1BF5;
	p2 =	por !p2, p0  }
0x20: {  	[sflag:s8] =	ssyncset.s32 @!p0 $0xFFFFF086;
	s6 =	sadd.s32 @!p0 s3, s7;
	s7 =	simm.s32 @!p0 $0x108  }
0x21: {  	s3 =	sadd.s32 s3, s9;
	s6 =	sadd.s32 @!p0 $0x88, s6;
	s7 =	simm.s32 @p2 $0x1082  }
0x22: {  	[simem:s7], [sflag:s8] =	dma.local @!p0 [hbm:s6], $0xF7A  }
0x23: {  	s9 =	sor.u32 $0xD0000000, s2;
	s6 =	simm.s32 $0x108;
	_ =	swait.ge @!p0 [sflag:s8], $0x0  }
0x24: {  	s3 =	sadd.s32 $0x88, s3;
	s6 =	simm.s32 @!p1 $0x1082;
	[sflag:s4] =	ssyncset.s32 $0xFFFFF086  }
0x25: {  	[simem:s6], [sflag:s4] =	dma.local [hbm:s3], $0xF7A  }
0x26: {  	[smem:$0x3F88] =	sst s1;
	(tag) =	ssettag s2;
	_ =	strace s9  }
0x27: {  	s1 =	sld [smem:$0x3F98]  }
0x28: {  	s2 =	sld [smem:$0x3F99]  }
0x29: {  	s4 =	sld [smem:$0x3F9B]  }
0x2a: {  	p0 =	seq.s32 s5, $0x0;
	s5 =	sld [smem:$0x3F9C]  }
0x2b: {  	s6 =	sld [smem:$0x3F9D]  }
0x2c: {  	s7 =	sld [smem:$0x3F9E]  }
0x2d: {  	s3 =	simm.s32 $0x108;
	s8 =	sld [smem:$0x3F9F]  }
0x2e: {  	s3 =	simm.s32 @!p0 $0x1082;
	s9 =	sld [smem:$0x3FA0]  }
0x2f: {  	lr =	sadd.s32 s0, s3;
	s0 =	sld [smem:$0x3F97]  }
0x30: {  	s3 =	sld [smem:$0x3F9A]  }
0x31: {  	[smem:$0x3FA3] =	sst s10  }
0x32: {  	s10 =	sld [smem:$0x3FA1];
	_ =	sdelay $0x3  }
0x33: {  	p0 =	seq.s32 s10, $0x1;
	s10 =	sld [smem:$0x3FA3];
	_ =	sdelay $0x3  }
0x34: {  	[smem:$0x3FA3] =	sst s10  }
0x35: {  	s10 =	sld [smem:$0x3FA2];
	_ =	sdelay $0x3  }
0x36: {  	p1 =	seq.s32 s10, $0x1;
	s10 =	sld [smem:$0x3FA3];
	_ =	sdelay $0x3  }
0x37: {  	[smem:$0x3FA3] =	sst s10  }
0x38: {  	s10 =	sld [smem:$0x3FA4]  }
0x39: {  	_ = 	snop;
	(pc) =	sbr.ind lr, $3  }
0x3a: {  	_ = 	snop  }
0x3b: {  	_ = 	snop  }
0x3c: {  	p2 =	seq.s32 s10, $0x1;
	s10 =	sld [smem:$0x3FA3]  }
0x3d: {  	_ =	shalt  }
0x3e: {  	_ =	shalt  }
0x3f: {  	_ =	shalt  }
0x40: {  	_ =	shalt  }
0x41: {  	_ =	shalt  }
0x42: {  	_ =	shalt  }
0x43: {  	_ =	shalt  }
0x44: {  	_ =	shalt  }
0x45: {  	_ =	shalt  }
0x46: {  	_ =	shalt  }
0x47: {  	_ =	shalt  }
0x48: {  	_ =	shalt  }
0x49: {  	_ =	shalt  }
0x4a: {  	_ =	shalt  }
0x4b: {  	_ =	shalt  }
0x4c: {  	_ =	shalt  }
0x4d: {  	_ =	shalt  }
0x4e: {  	_ =	shalt  }
0x4f: {  	_ =	shalt  }
0x50: {  	_ =	shalt  }
0x51: {  	_ =	shalt  }
0x52: {  	_ =	shalt  }
0x53: {  	_ =	shalt  }
0x54: {  	_ =	shalt  }
0x55: {  	_ =	shalt  }
0x56: {  	_ =	shalt  }
0x57: {  	_ =	shalt  }
0x58: {  	_ =	shalt  }
0x59: {  	_ =	shalt  }
0x5a: {  	_ =	shalt  }
0x5b: {  	_ =	shalt  }
0x5c: {  	_ =	shalt  }
0x5d: {  	_ =	shalt  }
0x5e: {  	_ =	shalt  }
0x5f: {  	_ =	shalt  }
0x60: {  	_ =	shalt  }
0x61: {  	_ =	shalt  }
0x62: {  	_ =	shalt  }
0x63: {  	_ =	shalt  }
0x64: {  	_ =	shalt  }
0x65: {  	_ =	shalt  }
0x66: {  	_ =	shalt  }
0x67: {  	_ =	shalt  }
0x68: {  	_ =	shalt  }
0x69: {  	_ =	shalt  }
0x6a: {  	_ =	shalt  }
0x6b: {  	_ =	shalt  }
0x6c: {  	_ =	shalt  }
0x6d: {  	_ =	shalt  }
0x6e: {  	_ =	shalt  }
0x6f: {  	_ =	shalt  }
0x70: {  	_ =	shalt  }
0x71: {  	_ =	shalt  }
0x72: {  	_ =	shalt  }
0x73: {  	_ =	shalt  }
0x74: {  	_ =	shalt  }
0x75: {  	_ =	shalt  }
0x76: {  	_ =	shalt  }
0x77: {  	_ =	shalt  }
0x78: {  	_ =	shalt  }
0x79: {  	_ =	shalt  }
0x7a: {  	_ =	shalt  }
0x7b: {  	_ =	shalt  }
0x7c: {  	_ =	shalt  }
0x7d: {  	_ =	shalt  }
0x7e: {  	_ =	shalt  }
0x7f: {  	_ =	shalt  }
0x80: {  	_ =	shalt  }
0x81: {  	_ =	shalt  }
0x82: {  	_ =	shalt  }
0x83: {  	_ =	shalt  }
0x84: {  	_ =	shalt  }
0x85: {  	_ =	shalt  }
0x86: {  	_ =	shalt  }
0x87: {  	_ =	shalt  }
.Lfunc_end0:
.L_simem_size_0:
called_computation.1_lowered:
.L_overlay_start_0:
0x88: {  	s2 =	sld [smem:$0x3FD9]  }
0x89: {  	s3 =	sld [smem:$0x3FFE];
	_ =	sdelay $0x1  }
0x8a: {  	s1 =	srdreg.scid  }
0x8b: {  	s0 =	sand.u32 $0x1, s1  }
0x8c: {  	s15 =	sshll.u32 s0, $0xA;
	s2 =	sadd.s32 s3, s2  }
0x8d: {  	s2 =	sadd.s32 s2, s15  }
0x8e: {  	[smem:$0x3FAF] =	sst s2  }
0x8f: {  	_ = 	snop  }
0x90: {  	s2 =	sld [smem:$0x3FD0];
	_ =	sdelay $0x2  }
0x91: {  	s4 =	simm.s32 $0xB;
	s16 =	simm.s32 $0x10  }
0x92: {  	[smem:s16], [sflag:s4] =	dma.local [hbm:s2], $0x1  }
0x93: {  	_ =	swait.eq [sflag:s4], $0x1  }
0x94: {  	[sflag:s4] =	ssyncset.done $0x0  }
0x95: {  	s17 =	sld [smem:$0x10];
	[sflag:s4] =	ssyncadd.s32 $0xFFFFFFFF  }
0x96: {  	s18 =	sld [smem:$0x11];
	(tm) =	ssettm $0x1  }
0x97: {  	s19 =	sld [smem:$0x3FFB];
	_ =	sdelay $0x3  }
0x98: {  	_ =	strace s19  }
0x99: {  	s2 =	sld [smem:$0x3FFC];
	_ =	sdelay $0x3  }
0x9a: {  	_ =	strace s2  }
0x9b: {  	s2 =	sld [smem:$0x3FFD];
	_ =	sdelay $0x3  }
0x9c: {  	_ =	strace s2  }
0x9d: {  	_ =	strace $0x8FFFFFFF  }
0x9e: {  	s20 =	sld [smem:$0x3FDB];
	_ =	sdelay $0x1  }
0x9f: {  	s5 =	simm.s32 $_scs_section_size  }
0xa0: {  	s6 =	simm.s32 $_size__tile_overlayer_lowered;
	s7 =	simm.s32 $_tile_overlayer_lowered  }
0xa1: {  	s8 =	simm.s32 $0x1BFF;
	s21 =	sshll.u32 s7, $0x1;
	s5 =	sadd.s32 s5, s20  }
0xa2: {  	s22 =	simm.s32 $0x0;
	s6 =	sshll.u32 s6, $0x1;
	s7 =	sadd.s32 s21, s5  }
0xa3: {  	[timem:s22], [sflag:s8] =	dma.local [hbm:s7], s6  }
0xa4: {  	_ =	swait.ge [sflag:s8], s6  }
0xa5: {  	s6 =	ssub.s32 $0x0, s6;
	[sflag:s8] =	ssyncset.done $0x0  }
0xa6: {  	[sflag:s8] =	ssyncadd.s32 s6;
	_ =	sdelay $0x1  }
0xa7: {  	s23 =	simm.s32 $0x1B8B  }
0xa8: {  	_ =	swait.ge [sflag:s23], $0x1  }
0xa9: {  	[sflag:s23] =	ssyncset.done $0x0  }
0xaa: {  	[sflag:s23] =	ssyncadd.s32 $0xFFFFFFFF  }
0xab: {  	s6 =	sld [smem:$0x0]  }
0xac: {  	s7 =	sand.u32 $0xFFFFFFFE, s1  }
0xad: {  	p0 =	sne.s32 s1, s7  }
0xae: {  	s7 =	sshll.u32 @p0 s7, $0xE  }
0xaf: {  	s7 =	sadd.s32 @p0 $0x11B8D, s7;
	s8 =	sshll.u32 @p0 s6, $0x11  }
0xb0: {  	s7 =	sor.u32 @p0 s8, s7  }
0xb1: {  	[sflag:s7] =	ssyncadd.remote.s32 @p0 $0x1;
	_ =	sdelay $0x1  }
0xb2: {  	s7 =	simm.s32 @p0 $0x1B8D  }
0xb3: {  	_ =	swait.eq @p0 [sflag:s7], $0x1  }
0xb4: {  	[sflag:s7] =	ssyncadd.s32 @p0 $0xFFFFFFFF  }
0xb5: {  	s8 =	sshll.u32 @!p0 s1, $0xE  }
0xb6: {  	s8 =	sor.u32 @!p0 $0x4000, s8;
	s7 =	simm.s32 @!p0 $0x1B8D  }
0xb7: {  	s6 =	sshll.u32 @!p0 s6, $0x11;
	s8 =	sadd.s32 @!p0 $0x11B8D, s8;
	_ =	swait.eq @!p0 [sflag:s7], $0x1  }
0xb8: {  	s6 =	sor.u32 @!p0 s6, s8;
	[sflag:s7] =	ssyncadd.s32 @!p0 $0xFFFFFFFF  }
0xb9: {  	s25 =	simm.s32 $0x1B8E;
	s24 =	sld [smem:$0x3FFE];
	[sflag:s6] =	ssyncadd.remote.s32 @!p0 $0x1  }
0xba: {  	s26 =	simm.s32 $execute0_lowered;
	[smem:$0x3FD2] =	sst s25  }
0xbb: {  	s7 =	sshll.u32 s26, $0x1;
	_ =	strace $0x80000049;
	[dreg:$0x1] =	wrdreg $0xFFFFFFFF  }
0xbc: {  	s28 =	simm.s32 $_size_execute0_lowered;
	s5 =	sadd.s32 s5, s7;
	[dreg:$0x0] =	wrdreg $0x0  }
0xbd: {  	s7 =	sshll.u32 s28, $0x1;
	[dreg:$0x2] =	wrdreg s5  }
0xbe: {  	[dreg:$0x3] =	wrdreg s7  }
0xbf: {  	[dreg:$0x4] =	wrdreg $0xC0  }
0xc0: {  	_ =	task [dreg:s22], $0x5FFFF  }
0xc1: {  	[dreg:$0x1] =	wrdreg $0xFFFFFFFF  }
0xc2: {  	[dreg:$0x0] =	wrdreg $0x60  }
0xc3: {  	[dreg:$0x2] =	wrdreg s24  }
0xc4: {  	[dreg:$0x3] =	wrdreg s17  }
0xc5: {  	[dreg:$0x4] =	wrdreg s18  }
0xc6: {  	[dreg:$0x5] =	wrdreg $0x52000  }
0xc7: {  	[dreg:$0x6] =	wrdreg $0xA  }
0xc8: {  	_ =	task.clear_ibuf [dreg:s22], $0x7FFFF;
	_ =	strace $0x90000049  }
0xc9: {  	s29 =	simm.s32 $0xA;
	_ =	strace $0x8000004B  }
0xca: {  	_ =	swait.ge [sflag:s29], $0x1  }
0xcb: {  	[sflag:s29] =	ssyncadd.s32 $0xFFFFFFFF  }
0xcc: {  	_ =	strace $0x9000004B  }
0xcd: {  	_ =	sfence  }
0xce: {  	s30 =	sld [smem:$0x0];
	_ =	sdelay $0x2  }
0xcf: {  	s31 =	sshll.u32 s1, $0xD;
	s1 =	sshrl.u32 s1, $0x2  }
0xd0: {  	s4 =	sand.u32 $0x4000, s31;
	s1 =	sadd.s32 s1, s30  }
0xd1: {  	s0 =	sor.u32 s4, s0;
	s1 =	sshll.u32 s1, $0x11  }
0xd2: {  	s0 =	sor.u32 s1, s0  }
0xd3: {  	s0 =	sadd.s32 $0x8F2B, s0  }
0xd4: {  	[sflag:s0] =	ssyncadd.remote.s32 $0x1  }
0xd5: {  	_ =	sfence.sel $0xFFFF  }
0xd6: {  	[dreg:$0x0] =	wrdreg $0xFFFFFFFF;
	(pc) =	sbr.abs _section_cstart, $3  }
0xd7: {  	[dreg:$0x1] =	wrdreg $0xFFFFFFFF  }
0xd8: {  	_ =	task.clear_ibuf [dreg:s22], $0x2FFFF;
	_ =	strace $0x9FFFFFFF  }
0xd9: {  	(tm) =	ssettm $0x7FFFFFFF  }
tec
execute0_lowered:
.L_overlay_start_1:
0x0: {  	(tag) =	ssettag $0x1  }
0x1: {  	s4 =	rddreg [dreg:$0x0]  }
0x2: {  	s12 =	rddreg [dreg:$0x1]  }
0x3: {  	s11 =	rddreg [dreg:$0x2];
	s0 =	srdreg.scid  }
0x4: {  	s2 =	rddreg [dreg:$0x3];
	s1 =	stileid.u32;
	s3 =	simm.s32 $0x0  }
0x5: {  	s15 =	simm.s32 $0x80;
	s16 =	simm.s32 $0x100;
	s17 =	simm.s32 $0x180  }
0x6: {  	s18 =	simm.s32 $0x3;
	s19 =	simm.s32 $0x50;
	s20 =	simm.s32 $0x200  }
0x7: {  	s21 =	simm.s32 $0x4;
	s22 =	simm.s32 $0x2A00;
	s7 =	smul.u32 $0x13C00, s1  }
0x8: {  	s23 =	simm.s32 $0x1;
	s24 =	simm.s32 $0x2;
	s13 =	smul.u32 $0x4F000, s1  }
0x9: {  	s5 =	sand.u32 $0x1, s0;
	s0 =	rddreg [dreg:$0x4];
	s30 =	smul.u32 $0x4E20, s1  }
0xa: {  	[smem:$0x7FF] =	sst s3;
	s29 =	sshll.u32 s1, $0x6;
	s6 =	smul.u32 $0x27100, s5  }
0xb: {  	s8 =	smul.u32 $0x13C000, s5;
	_ =	strace $0x8000004A;
	s25 =	ssub.s32 $0x2, s5  }
0xc: {  	s26 =	smul.u32 $0x4E200, s5;
	s5 =	sor.u32 $0x1C05, s29;
	s9 =	sshrl.u32 s7, $0x3  }
0xd: {  	s10 =	sshrl.u32 s25, $0x1;
	s28 =	sshrl.u32 s13, $0x2;
	s6 =	sadd.s32 s6, s4  }
0xe: {  	s9 =	sadd.s32 s9, s4;
	s7 =	sadd.s32 s7, s8;
	s8 =	ssub.s32 s25, s10  }
0xf: {  	s14 =	sadd.s32 s28, s2;
	s31 =	sadd.s32 s30, s26;
	s25 =	simm.s32 $0x0  }
0x10: {  	s7 =	sshrl.u32 s7, $0x3;
	s6 =	sadd.s32 $0x7AC00, s6;
	s8 =	smax.u32 s8, $0x1  }
0x11: {  	s10 =	sshrl.u32 s31, $0x3;
	s13 =	sadd.s32 $0x50, s31;
	s7 =	sadd.s32 s7, s4  }
0x12: {  	s4 =	sadd.s32 $0x3E00, s9;
	s9 =	sadd.s32 s10, s11;
	s13 =	sshrl.u32 s13, $0x3  }
0x13: {  	s10 =	sadd.s32 s10, s12;
	s7 =	sadd.s32 $0xC8E00, s7;
	s11 =	sadd.s32 s13, s11  }
0x14: {  	s12 =	sadd.s32 s13, s12;
	s13 =	sshrl.u32 s14, $0x3;
	s14 =	simm.s32 $0x5  }
.LBB2_1:
0x15: {  	[spmem:s13], [sflag:s5] =	dma.local [hbm:s4], $0x2780  }
0x16: {  	_ =	swait.ge [sflag:s14], $0x2780  }
0x17: {  	[sflag:s14] =	ssyncset.done $0x0  }
0x18: {  	[sflag:s14] =	ssyncadd.s32 $0xFFFFD880  }
0x19: {  	s26 =	sadd.s32 $0x0, s10;
	[bflag:$0x0] =	sbarrier.arrive $0xFFFF  }
0x1a: {  	[tilespmem:s3], [sflag:$0x3] =	stream.linear.gather [hbm4b:s26+s3], $0x50, $0x38;
	[tilespmem:$0x18E00] =	vst v63  }
0x1b: {  	s28 =	sadd.s32 $0x0, s9  }
0x1c: {  	[tilespmem:s15], [sflag:$0x3] =	stream.linear.gather [hbm4b:s28+s3], $0x50, $0x38;
	[tilespmem:$0x18E00] =	vst v63  }
0x1d: {  	s30 =	sadd.s32 $0x0, s12  }
0x1e: {  	[tilespmem:s16], [sflag:$0x4] =	stream.linear.gather [hbm4b:s30+s3], $0x50, $0x38;
	[tilespmem:$0x18E00] =	vst v63  }
0x1f: {  	s31 =	sadd.s32 $0x0, s11  }
0x20: {  	[tilespmem:s17], [sflag:$0x4] =	stream.linear.gather [hbm4b:s31+s3], $0x50, $0x38;
	[tilespmem:$0x18E00] =	vst v63  }
0x21: {  	_ =	swait.ge [sflag:s18], $0x50  }
0x22: {  	[sflag:s18] =	ssyncset.done $0x0  }
0x23: {  	[sflag:s18] =	ssyncadd.s32 $0xFFFFFFB0  }
0x24: {  	[tilespmem:s20], [sflag:$0x1] =	stream.indirect.gather [hbm4b:s6+s19], $0x80, s3, s19, $0xb8;
	[tilespmem:$0x18E00] =	vst v63  }
0x25: {  	_ =	swait.ge [sflag:s21], $0x50  }
0x26: {  	[sflag:s21] =	ssyncset.done $0x0  }
0x27: {  	[sflag:s21] =	ssyncadd.s32 $0xFFFFFFB0  }
0x28: {  	[tilespmem:s22], [sflag:$0x2] =	stream.indirect.gather [hbm4b:s6+s19], $0x80, s16, s19, $0xb8;
	[tilespmem:$0x18E00] =	vst v63  }
0x29: {  	_ =	swait.ge [sflag:s23], $0x2800  }
0x2a: {  	[sflag:s23] =	ssyncset.done $0x0  }
0x2b: {  	[sflag:s23] =	ssyncadd.s32 $0xFFFFD800  }
0x2c: {  	_ =	swait.ge [sflag:s18], $0x50  }
0x2d: {  	[sflag:s18] =	ssyncset.done $0x0  }
0x2e: {  	[sflag:s18] =	ssyncadd.s32 $0xFFFFFFB0  }
0x2f: {  	[spmem:s2] =	stream.indirect.scatter.add.f32 [tilespmem:s20], [sflag:$0x5], $0x80, s15, s19, $0xb8;
	[tilespmem:$0x18E00] =	vst v63  }
0x30: {  	_ =	swait.ge [sflag:s14], $0x2800  }
0x31: {  	[sflag:s14] =	ssyncset.done $0x0  }
0x32: {  	[sflag:s14] =	ssyncadd.s32 $0xFFFFD800  }
0x33: {  	_ =	swait.ge [sflag:s24], $0x2800  }
0x34: {  	[sflag:s24] =	ssyncset.done $0x0  }
0x35: {  	[sflag:s24] =	ssyncadd.s32 $0xFFFFD800  }
0x36: {  	_ =	swait.ge [sflag:s21], $0x50  }
0x37: {  	[sflag:s21] =	ssyncset.done $0x0  }
0x38: {  	[sflag:s21] =	ssyncadd.s32 $0xFFFFFFB0  }
0x39: {  	[spmem:s2] =	stream.indirect.scatter.add.f32 [tilespmem:s22], [sflag:$0x5], $0x80, s17, s19, $0xb8;
	[tilespmem:$0x18E00] =	vst v63  }
0x3a: {  	_ =	swait.ge [sflag:s14], $0x2800  }
0x3b: {  	s29 =	simm.s32 $0x28;
	s26 =	simm.s32 $0x14;
	[sflag:s14] =	ssyncset.done $0x0  }
.LBB2_2:
0x3c: {  	s30 =	sadd.s32 s26, s10  }
0x3d: {  	[sflag:s14] =	ssyncadd.s32 $0xFFFFD800;
	s31 =	smov.u32 s29;
	s28 =	sadd.s32 $0x14, s29  }
0x3e: {  	[tilespmem:s3], [sflag:$0x3] =	stream.linear.gather [hbm4b:s30+s3], $0x50, $0x38;
	[tilespmem:$0x18E00] =	vst v63  }
0x3f: {  	p0 =	sne.s32 s29, $0x9B0;
	s29 =	sadd.s32 s26, s9  }
0x40: {  	[tilespmem:s15], [sflag:$0x3] =	stream.linear.gather [hbm4b:s29+s3], $0x50, $0x38;
	[tilespmem:$0x18E00] =	vst v63  }
0x41: {  	s29 =	sadd.s32 s26, s12  }
0x42: {  	[tilespmem:s16], [sflag:$0x4] =	stream.linear.gather [hbm4b:s29+s3], $0x50, $0x38;
	[tilespmem:$0x18E00] =	vst v63  }
0x43: {  	s29 =	sadd.s32 s26, s11;
	s26 =	smov.u32 s31  }
0x44: {  	[tilespmem:s17], [sflag:$0x4] =	stream.linear.gather [hbm4b:s29+s3], $0x50, $0x38;
	[tilespmem:$0x18E00] =	vst v63  }
0x45: {  	_ =	swait.ge [sflag:s18], $0x50  }
0x46: {  	[sflag:s18] =	ssyncset.done $0x0  }
0x47: {  	[sflag:s18] =	ssyncadd.s32 $0xFFFFFFB0  }
0x48: {  	[tilespmem:s20], [sflag:$0x1] =	stream.indirect.gather [hbm4b:s6+s19], $0x80, s3, s19, $0xb8;
	[tilespmem:$0x18E00] =	vst v63  }
0x49: {  	_ =	swait.ge [sflag:s21], $0x50  }
0x4a: {  	[sflag:s21] =	ssyncset.done $0x0  }
0x4b: {  	[sflag:s21] =	ssyncadd.s32 $0xFFFFFFB0  }
0x4c: {  	[tilespmem:s22], [sflag:$0x2] =	stream.indirect.gather [hbm4b:s6+s19], $0x80, s16, s19, $0xb8;
	[tilespmem:$0x18E00] =	vst v63  }
0x4d: {  	_ =	swait.ge [sflag:s23], $0x2800  }
0x4e: {  	[sflag:s23] =	ssyncset.done $0x0  }
0x4f: {  	[sflag:s23] =	ssyncadd.s32 $0xFFFFD800  }
0x50: {  	_ =	swait.ge [sflag:s18], $0x50  }
0x51: {  	[sflag:s18] =	ssyncset.done $0x0  }
0x52: {  	[sflag:s18] =	ssyncadd.s32 $0xFFFFFFB0  }
0x53: {  	[spmem:s2] =	stream.indirect.scatter.add.f32 [tilespmem:s20], [sflag:$0x5], $0x80, s15, s19, $0xb8;
	[tilespmem:$0x18E00] =	vst v63  }
0x54: {  	_ =	swait.ge [sflag:s14], $0x2800  }
0x55: {  	[sflag:s14] =	ssyncset.done $0x0  }
0x56: {  	[sflag:s14] =	ssyncadd.s32 $0xFFFFD800  }
0x57: {  	_ =	swait.ge [sflag:s24], $0x2800  }
0x58: {  	[sflag:s24] =	ssyncset.done $0x0  }
0x59: {  	[sflag:s24] =	ssyncadd.s32 $0xFFFFD800  }
0x5a: {  	_ =	swait.ge [sflag:s21], $0x50  }
.Ltmp0:
0x5b: {  	[sflag:s21] =	ssyncset.done $0x0;
	(pc) =	sbr.rel @p0 .LBB2_2-.Ltmp0, $4  }
0x5c: {  	[sflag:s21] =	ssyncadd.s32 $0xFFFFFFB0  }
0x5d: {  	[spmem:s2] =	stream.indirect.scatter.add.f32 [tilespmem:s22], [sflag:$0x5], $0x80, s17, s19, $0xb8;
	[tilespmem:$0x18E00] =	vst v63  }
0x5e: {  	_ =	swait.ge [sflag:s14], $0x2800  }
0x5f: {  	s29 =	smov.u32 s28;
	[sflag:s14] =	ssyncset.done $0x0  }
0x60: {  	s28 =	sadd.s32 s26, s10;
	[sflag:s14] =	ssyncadd.s32 $0xFFFFD800  }
0x61: {  	[tilespmem:s3], [sflag:$0x3] =	stream.linear.gather [hbm4b:s28+s3], $0x50, $0x38;
	[tilespmem:$0x18E00] =	vst v63  }
0x62: {  	s29 =	sadd.s32 s26, s9  }
0x63: {  	[tilespmem:s15], [sflag:$0x3] =	stream.linear.gather [hbm4b:s29+s3], $0x50, $0x38;
	[tilespmem:$0x18E00] =	vst v63  }
0x64: {  	s30 =	sadd.s32 s26, s12  }
0x65: {  	[tilespmem:s16], [sflag:$0x4] =	stream.linear.gather [hbm4b:s30+s3], $0x50, $0x38;
	[tilespmem:$0x18E00] =	vst v63  }
0x66: {  	s31 =	sadd.s32 s26, s11  }
0x67: {  	[tilespmem:s17], [sflag:$0x4] =	stream.linear.gather [hbm4b:s31+s3], $0x50, $0x38;
	[tilespmem:$0x18E00] =	vst v63  }
0x68: {  	_ =	swait.ge [sflag:s18], $0x50  }
0x69: {  	[sflag:s18] =	ssyncset.done $0x0  }
0x6a: {  	[sflag:s18] =	ssyncadd.s32 $0xFFFFFFB0  }
0x6b: {  	[tilespmem:s20], [sflag:$0x1] =	stream.indirect.gather [hbm4b:s6+s19], $0x80, s3, s19, $0xb8;
	[tilespmem:$0x18E00] =	vst v63  }
0x6c: {  	_ =	swait.ge [sflag:s21], $0x50  }
0x6d: {  	[sflag:s21] =	ssyncset.done $0x0  }
0x6e: {  	[sflag:s21] =	ssyncadd.s32 $0xFFFFFFB0  }
0x6f: {  	[tilespmem:s22], [sflag:$0x2] =	stream.indirect.gather [hbm4b:s6+s19], $0x80, s16, s19, $0xb8;
	[tilespmem:$0x18E00] =	vst v63  }
0x70: {  	_ =	swait.ge [sflag:s23], $0x2800  }
0x71: {  	[sflag:s23] =	ssyncset.done $0x0  }
0x72: {  	[sflag:s23] =	ssyncadd.s32 $0xFFFFD800  }
0x73: {  	_ =	swait.ge [sflag:s18], $0x50  }
0x74: {  	[sflag:s18] =	ssyncset.done $0x0  }
0x75: {  	[sflag:s18] =	ssyncadd.s32 $0xFFFFFFB0  }
0x76: {  	[spmem:s2] =	stream.indirect.scatter.add.f32 [tilespmem:s20], [sflag:$0x5], $0x80, s15, s19, $0xb8;
	[tilespmem:$0x18E00] =	vst v63  }
0x77: {  	_ =	swait.ge [sflag:s14], $0x2800  }
0x78: {  	[sflag:s14] =	ssyncset.done $0x0  }
0x79: {  	[sflag:s14] =	ssyncadd.s32 $0xFFFFD800  }
0x7a: {  	_ =	swait.ge [sflag:s24], $0x2800  }
0x7b: {  	[sflag:s24] =	ssyncset.done $0x0  }
0x7c: {  	[sflag:s24] =	ssyncadd.s32 $0xFFFFD800  }
0x7d: {  	_ =	swait.ge [sflag:s21], $0x50  }
0x7e: {  	[sflag:s21] =	ssyncset.done $0x0  }
0x7f: {  	[sflag:s21] =	ssyncadd.s32 $0xFFFFFFB0  }
0x80: {  	[spmem:s2] =	stream.indirect.scatter.add.f32 [tilespmem:s22], [sflag:$0x5], $0x80, s17, s19, $0xb8;
	[tilespmem:$0x18E00] =	vst v63  }
0x81: {  	_ =	swait.ge [sflag:s14], $0x2800  }
0x82: {  	s25 =	sadd.s32 $0x1, s25;
	[sflag:s14] =	ssyncset.done $0x0  }
0x83: {  	p0 =	sne.s32 s25, s8;
	[sflag:s14] =	ssyncadd.s32 $0xFFFFD800  }
.Ltmp1:
0x84: {  	[bflag:$0x0] =	sbarrier.arrive $0xFFFF;
	(pc) =	sbr.rel @p0 .LBB2_1-.Ltmp1, $4  }
0x85: {  	[hbm:s7], [sflag:s5] =	dma.local [spmem:s13], $0x2780  }
0x86: {  	_ =	swait.ge [sflag:s14], $0x2780  }
0x87: {  	[sflag:s14] =	ssyncset.done $0x0  }
0x88: {  	[sflag:s14] =	ssyncadd.s32 $0xFFFFD880  }
0x89: {  	_ =	sfence.sel $0x180000  }
0x8a: {  	[bflag:$0x0] =	sbarrier.arrive $0xFFFF  }
0x8b: {  	p0 =	sne.s32 s1, $0x0;
	_ =	strace $0x9000004A  }
0x8c: {  	s0 =	sadd.s32 @!p0 $0x100000, s0;
	[bflag:$0x2] =	sbarrier.arrive $0xFFFF  }
0x8d: {  	[sflag:s0] =	ssyncadd.tile.s32 @!p0 $0x1;
	_ =	shalt  }
.Lfunc_end2:
_tile_overlayer_lowered:
.L_overlay_start_2:
0x8e: {  	(tag) =	ssettag $0x2  }
0x8f: {  	s0 =	rddreg [dreg:$0x0];
	s2 =	stileid.u32  }
0x90: {  	s1 =	rddreg [dreg:$0x1];
	p0 =	sne.s32 s2, $0x0  }
0x91: {  	s3 =	rddreg [dreg:$0x2];
	[bflag:$0x3] =	sbarrier.arrive $0xFFFF;
	s2 =	simm.s32 @!p0 $0x1C05  }
0x92: {  	[timem:s3], [sflag:s2] =	dma.local @!p0 [hbm:s0], s1  }
0x93: {  	s0 =	simm.s32 @!p0 $0x5  }
0x94: {  	_ =	swait.ge @!p0 [sflag:s0], s1  }
0x95: {  	s1 =	ssub.s32 @!p0 $0x0, s1;
	[sflag:s0] =	ssyncset.done @!p0 $0x0  }
0x96: {  	[sflag:s0] =	ssyncadd.s32 @!p0 s1  }
0x97: {  	[bflag:$0x3] =	sbarrier.arrive $0xFFFF  }
0x98: {  	_ =	shalt  }

// kernel: kernel.14.cloned.1.call-start
scs
__scs_entry_jumppad:
0x0: {  	(pc) =	sbr.rel $0x88, $3  }
0x1: {  	(tag) =	ssettag $0x0;
	lr =	simm.s32 $0x1  }
0x2: {  	[smem:$0x3F88] =	sst lr;
	_ =	strace $0xD0000000  }
0x3: {  	_ = 	snop  }
0x4: {  	_ = 	snop  }
0x5: {  	_ = 	snop  }
0x6: {  	_ = 	snop  }
0x7: {  	_ = 	snop  }
__scs_overlays_trampoline_lowered:
0x8: {  	[smem:$0x3F97] =	sst s0  }
0x9: {  	[smem:$0x3F98] =	sst s1  }
0xa: {  	[smem:$0x3F99] =	sst s2  }
0xb: {  	[smem:$0x3F9A] =	sst s3  }
0xc: {  	[smem:$0x3F9B] =	sst s4  }
0xd: {  	[smem:$0x3F9C] =	sst s5  }
0xe: {  	[smem:$0x3F9D] =	sst s6  }
0xf: {  	[smem:$0x3F9E] =	sst s7  }
0x10: {  	[smem:$0x3F9F] =	sst s8  }
0x11: {  	[smem:$0x3FA0] =	sst s9;
	s0 =	simm.s32 @!p0 $0x0  }
0x12: {  	s1 =	sld [smem:$0x3F86];
	s0 =	simm.s32 @p0 $0x1  }
0x13: {  	[smem:$0x3FA1] =	sst s0;
	s0 =	simm.s32 @!p1 $0x0  }
0x14: {  	s2 =	sld [smem:$0x3F85];
	s0 =	simm.s32 @p1 $0x1  }
0x15: {  	[smem:$0x3FA2] =	sst s0;
	s0 =	simm.s32 @!p2 $0x0  }
0x16: {  	s3 =	sld [smem:$0x3FDB];
	s0 =	simm.s32 @p2 $0x1  }
0x17: {  	s4 =	simm.s32 $0x1BF5;
	[smem:$0x3FA4] =	sst s0  }
0x18: {  	s0 =	sld [smem:$0x3F87];
	_ =	swait.ge [sflag:s4], $0x0  }
0x19: {  	s7 =	sld [smem:$0x3F88]  }
0x1a: {  	s8 =	sadd.s32 $0xFFFFE003, lr  }
0x1b: {  	s9 =	sadd.s32 $0xFFFFFEF7, lr;
	s5 =	simm.s32 $0xFFFFFFFF;
	p2 =	slt.u32 s8, $0xFFFFF086  }
0x1c: {  	p1 =	slt.u32 s9, $0xF7A;
	s5 =	simm.s32 @!p2 $0x0  }
0x1d: {  	s5 =	simm.s32 @p1 $0x1;
	p0 =	seq.s32 s7, s2  }
0x1e: {  	s7 =	smul.u32 @!p0 $0xF7A, s2;
	p2 =	seq.s32 @!p0 s5, $0x0  }
0x1f: {  	s9 =	smul.u32 $0xF7A, s1;
	s8 =	simm.s32 @!p0 $0x1BF5;
	p2 =	por !p2, p0  }
0x20: {  	[sflag:s8] =	ssyncset.s32 @!p0 $0xFFFFF086;
	s6 =	sadd.s32 @!p0 s3, s7;
	s7 =	simm.s32 @!p0 $0x108  }
0x21: {  	s3 =	sadd.s32 s3, s9;
	s6 =	sadd.s32 @!p0 $0x88, s6;
	s7 =	simm.s32 @p2 $0x1082  }
0x22: {  	[simem:s7], [sflag:s8] =	dma.local @!p0 [hbm:s6], $0xF7A  }
0x23: {  	s9 =	sor.u32 $0xD0000000, s2;
	s6 =	simm.s32 $0x108;
	_ =	swait.ge @!p0 [sflag:s8], $0x0  }
0x24: {  	s3 =	sadd.s32 $0x88, s3;
	s6 =	simm.s32 @!p1 $0x1082;
	[sflag:s4] =	ssyncset.s32 $0xFFFFF086  }
0x25: {  	[simem:s6], [sflag:s4] =	dma.local [hbm:s3], $0xF7A  }
0x26: {  	[smem:$0x3F88] =	sst s1;
	(tag) =	ssettag s2;
	_ =	strace s9  }
0x27: {  	s1 =	sld [smem:$0x3F98]  }
0x28: {  	s2 =	sld [smem:$0x3F99]  }
0x29: {  	s4 =	sld [smem:$0x3F9B]  }
0x2a: {  	p0 =	seq.s32 s5, $0x0;
	s5 =	sld [smem:$0x3F9C]  }
0x2b: {  	s6 =	sld [smem:$0x3F9D]  }
0x2c: {  	s7 =	sld [smem:$0x3F9E]  }
0x2d: {  	s3 =	simm.s32 $0x108;
	s8 =	sld [smem:$0x3F9F]  }
0x2e: {  	s3 =	simm.s32 @!p0 $0x1082;
	s9 =	sld [smem:$0x3FA0]  }
0x2f: {  	lr =	sadd.s32 s0, s3;
	s0 =	sld [smem:$0x3F97]  }
0x30: {  	s3 =	sld [smem:$0x3F9A]  }
0x31: {  	[smem:$0x3FA3] =	sst s10  }
0x32: {  	s10 =	sld [smem:$0x3FA1];
	_ =	sdelay $0x3  }
0x33: {  	p0 =	seq.s32 s10, $0x1;
	s10 =	sld [smem:$0x3FA3];
	_ =	sdelay $0x3  }
0x34: {  	[smem:$0x3FA3] =	sst s10  }
0x35: {  	s10 =	sld [smem:$0x3FA2];
	_ =	sdelay $0x3  }
0x36: {  	p1 =	seq.s32 s10, $0x1;
	s10 =	sld [smem:$0x3FA3];
	_ =	sdelay $0x3  }
0x37: {  	[smem:$0x3FA3] =	sst s10  }
0x38: {  	s10 =	sld [smem:$0x3FA4]  }
0x39: {  	_ = 	snop;
	(pc) =	sbr.ind lr, $3  }
0x3a: {  	_ = 	snop  }
0x3b: {  	_ = 	snop  }
0x3c: {  	p2 =	seq.s32 s10, $0x1;
	s10 =	sld [smem:$0x3FA3]  }
0x3d: {  	_ =	shalt  }
0x3e: {  	_ =	shalt  }
0x3f: {  	_ =	shalt  }
0x40: {  	_ =	shalt  }
0x41: {  	_ =	shalt  }
0x42: {  	_ =	shalt  }
0x43: {  	_ =	shalt  }
0x44: {  	_ =	shalt  }
0x45: {  	_ =	shalt  }
0x46: {  	_ =	shalt  }
0x47: {  	_ =	shalt  }
0x48: {  	_ =	shalt  }
0x49: {  	_ =	shalt  }
0x4a: {  	_ =	shalt  }
0x4b: {  	_ =	shalt  }
0x4c: {  	_ =	shalt  }
0x4d: {  	_ =	shalt  }
0x4e: {  	_ =	shalt  }
0x4f: {  	_ =	shalt  }
0x50: {  	_ =	shalt  }
0x51: {  	_ =	shalt  }
0x52: {  	_ =	shalt  }
0x53: {  	_ =	shalt  }
0x54: {  	_ =	shalt  }
0x55: {  	_ =	shalt  }
0x56: {  	_ =	shalt  }
0x57: {  	_ =	shalt  }
0x58: {  	_ =	shalt  }
0x59: {  	_ =	shalt  }
0x5a: {  	_ =	shalt  }
0x5b: {  	_ =	shalt  }
0x5c: {  	_ =	shalt  }
0x5d: {  	_ =	shalt  }
0x5e: {  	_ =	shalt  }
0x5f: {  	_ =	shalt  }
0x60: {  	_ =	shalt  }
0x61: {  	_ =	shalt  }
0x62: {  	_ =	shalt  }
0x63: {  	_ =	shalt  }
0x64: {  	_ =	shalt  }
0x65: {  	_ =	shalt  }
0x66: {  	_ =	shalt  }
0x67: {  	_ =	shalt  }
0x68: {  	_ =	shalt  }
0x69: {  	_ =	shalt  }
0x6a: {  	_ =	shalt  }
0x6b: {  	_ =	shalt  }
0x6c: {  	_ =	shalt  }
0x6d: {  	_ =	shalt  }
0x6e: {  	_ =	shalt  }
0x6f: {  	_ =	shalt  }
0x70: {  	_ =	shalt  }
0x71: {  	_ =	shalt  }
0x72: {  	_ =	shalt  }
0x73: {  	_ =	shalt  }
0x74: {  	_ =	shalt  }
0x75: {  	_ =	shalt  }
0x76: {  	_ =	shalt  }
0x77: {  	_ =	shalt  }
0x78: {  	_ =	shalt  }
0x79: {  	_ =	shalt  }
0x7a: {  	_ =	shalt  }
0x7b: {  	_ =	shalt  }
0x7c: {  	_ =	shalt  }
0x7d: {  	_ =	shalt  }
0x7e: {  	_ =	shalt  }
0x7f: {  	_ =	shalt  }
0x80: {  	_ =	shalt  }
0x81: {  	_ =	shalt  }
0x82: {  	_ =	shalt  }
0x83: {  	_ =	shalt  }
0x84: {  	_ =	shalt  }
0x85: {  	_ =	shalt  }
0x86: {  	_ =	shalt  }
0x87: {  	_ =	shalt  }
.Lfunc_end0:
.L_simem_size_0:
called_computation.2_lowered:
.L_overlay_start_0:
0x88: {  	s2 =	sld [smem:$0x3FD9]  }
0x89: {  	s3 =	sld [smem:$0x3FFE];
	_ =	sdelay $0x1  }
0x8a: {  	s1 =	srdreg.scid  }
0x8b: {  	s0 =	sand.u32 $0x1, s1  }
0x8c: {  	s14 =	sshll.u32 s0, $0xA;
	s2 =	sadd.s32 s3, s2  }
0x8d: {  	s2 =	sadd.s32 s2, s14  }
0x8e: {  	[smem:$0x3FAF] =	sst s2  }
0x8f: {  	_ = 	snop  }
0x90: {  	s2 =	sld [smem:$0x3FD0];
	_ =	sdelay $0x2  }
0x91: {  	s15 =	simm.s32 $0xB;
	s4 =	simm.s32 $0x10  }
0x92: {  	[smem:s4], [sflag:s15] =	dma.local [hbm:s2], $0x1  }
0x93: {  	_ =	swait.eq [sflag:s15], $0x1  }
0x94: {  	[sflag:s15] =	ssyncset.done $0x0  }
0x95: {  	s16 =	sld [smem:$0x10];
	[sflag:s15] =	ssyncadd.s32 $0xFFFFFFFF  }
0x96: {  	s17 =	sld [smem:$0x11];
	(tm) =	ssettm $0x1  }
0x97: {  	s18 =	sld [smem:$0x3FFB];
	_ =	sdelay $0x3  }
0x98: {  	_ =	strace s18  }
0x99: {  	s4 =	sld [smem:$0x3FFC];
	_ =	sdelay $0x3  }
0x9a: {  	_ =	strace s4  }
0x9b: {  	s4 =	sld [smem:$0x3FFD];
	_ =	sdelay $0x3  }
0x9c: {  	_ =	strace s4  }
0x9d: {  	_ =	strace $0x8FFFFFFF  }
0x9e: {  	s19 =	sld [smem:$0x3FDB];
	_ =	sdelay $0x1  }
0x9f: {  	s5 =	simm.s32 $_scs_section_size  }
0xa0: {  	s6 =	simm.s32 $_size__tile_overlayer_lowered;
	s7 =	simm.s32 $_tile_overlayer_lowered  }
0xa1: {  	s22 =	simm.s32 $0x1BFF;
	s21 =	sshll.u32 s7, $0x1;
	s4 =	sadd.s32 s5, s19  }
0xa2: {  	s8 =	simm.s32 $0x0;
	s20 =	sshll.u32 s6, $0x1;
	s6 =	sadd.s32 s21, s4  }
0xa3: {  	[timem:s8], [sflag:s22] =	dma.local [hbm:s6], s20  }
0xa4: {  	_ =	swait.ge [sflag:s22], s20  }
0xa5: {  	s5 =	ssub.s32 $0x0, s20;
	[sflag:s22] =	ssyncset.done $0x0  }
0xa6: {  	[sflag:s22] =	ssyncadd.s32 s5;
	_ =	sdelay $0x1  }
0xa7: {  	s23 =	simm.s32 $0x1B8B  }
0xa8: {  	_ =	swait.ge [sflag:s23], $0x1  }
0xa9: {  	[sflag:s23] =	ssyncset.done $0x0  }
0xaa: {  	s25 =	simm.s32 $0x1B8E;
	s24 =	sld [smem:$0x3FFE];
	[sflag:s23] =	ssyncadd.s32 $0xFFFFFFFF  }
0xab: {  	s26 =	simm.s32 $execute0_lowered;
	[smem:$0x3FD2] =	sst s25  }
0xac: {  	s6 =	sshll.u32 s26, $0x1;
	_ =	strace $0x8000004C;
	[dreg:$0x1] =	wrdreg $0xFFFFFFFF  }
0xad: {  	s28 =	simm.s32 $_size_execute0_lowered;
	s4 =	sadd.s32 s4, s6;
	[dreg:$0x0] =	wrdreg $0x0  }
0xae: {  	s6 =	sshll.u32 s28, $0x1;
	[dreg:$0x2] =	wrdreg s4  }
0xaf: {  	[dreg:$0x3] =	wrdreg s6  }
0xb0: {  	[dreg:$0x4] =	wrdreg $0xC0  }
0xb1: {  	_ =	task [dreg:s8], $0x5FFFF  }
0xb2: {  	[dreg:$0x1] =	wrdreg $0xFFFFFFFF  }
0xb3: {  	[dreg:$0x0] =	wrdreg $0x60  }
0xb4: {  	[dreg:$0x2] =	wrdreg s24  }
0xb5: {  	[dreg:$0x3] =	wrdreg s16  }
0xb6: {  	[dreg:$0x4] =	wrdreg s17  }
0xb7: {  	[dreg:$0x5] =	wrdreg $0x52000  }
0xb8: {  	[dreg:$0x6] =	wrdreg $0x9  }
0xb9: {  	_ =	task.clear_ibuf [dreg:s8], $0x7FFFF;
	_ =	strace $0x9000004C  }
0xba: {  	s29 =	simm.s32 $0x9;
	_ =	strace $0x8000004E  }
0xbb: {  	_ =	swait.ge [sflag:s29], $0x1  }
0xbc: {  	[sflag:s29] =	ssyncadd.s32 $0xFFFFFFFF  }
0xbd: {  	_ =	strace $0x9000004E  }
0xbe: {  	_ =	sfence  }
0xbf: {  	s30 =	sld [smem:$0x0];
	_ =	sdelay $0x2  }
0xc0: {  	s31 =	sshll.u32 s1, $0xD;
	s1 =	sshrl.u32 s1, $0x2  }
0xc1: {  	s3 =	sand.u32 $0x4000, s31;
	s1 =	sadd.s32 s1, s30  }
0xc2: {  	s0 =	sor.u32 s3, s0;
	s1 =	sshll.u32 s1, $0x11  }
0xc3: {  	s0 =	sor.u32 s1, s0  }
0xc4: {  	s0 =	sadd.s32 $0x8F2B, s0  }
0xc5: {  	[sflag:s0] =	ssyncadd.remote.s32 $0x1  }
0xc6: {  	_ =	sfence.sel $0xFFFF  }
0xc7: {  	[dreg:$0x0] =	wrdreg $0xFFFFFFFF;
	(pc) =	sbr.abs _section_cstart, $3  }
0xc8: {  	[dreg:$0x1] =	wrdreg $0xFFFFFFFF  }
0xc9: {  	_ =	task.clear_ibuf [dreg:s8], $0x2FFFF;
	_ =	strace $0x9FFFFFFF  }
0xca: {  	(tm) =	ssettm $0x7FFFFFFF  }
0xcb: {  	_ =	shalt  }
tec
execute0_lowered:
.L_overlay_start_1:
0x0: {  	(tag) =	ssettag $0x1  }
0x1: {  	s4 =	rddreg [dreg:$0x0]  }
0x2: {  	s12 =	rddreg [dreg:$0x1]  }
0x3: {  	s11 =	rddreg [dreg:$0x2];
	s0 =	srdreg.scid  }
0x4: {  	s2 =	rddreg [dreg:$0x3];
	s1 =	stileid.u32;
	s3 =	simm.s32 $0x0  }
0x5: {  	s15 =	simm.s32 $0x80;
	s16 =	simm.s32 $0x100;
	s17 =	simm.s32 $0x180  }
0x6: {  	s18 =	simm.s32 $0x3;
	s19 =	simm.s32 $0x50;
	s20 =	simm.s32 $0x200  }
0x7: {  	s21 =	simm.s32 $0x4;
	s22 =	simm.s32 $0x2A00;
	s7 =	smul.u32 $0x13C00, s1  }
0x8: {  	s23 =	simm.s32 $0x1;
	s24 =	simm.s32 $0x2;
	s13 =	smul.u32 $0x4F000, s1  }
0x9: {  	s5 =	sand.u32 $0x1, s0;
	s0 =	rddreg [dreg:$0x4];
	s30 =	smul.u32 $0x4E20, s1  }
0xa: {  	[smem:$0x7FF] =	sst s3;
	s29 =	sshll.u32 s1, $0x6;
	s6 =	smul.u32 $0x27100, s5  }
0xb: {  	s8 =	smul.u32 $0x13C000, s5;
	_ =	strace $0x8000004D;
	s25 =	ssub.s32 $0x2, s5  }
0xc: {  	s26 =	smul.u32 $0x4E200, s5;
	s5 =	sor.u32 $0x1C05, s29;
	s9 =	sshrl.u32 s7, $0x3  }
0xd: {  	s10 =	sshrl.u32 s25, $0x1;
	s28 =	sshrl.u32 s13, $0x2;
	s6 =	sadd.s32 s6, s4  }
0xe: {  	s9 =	sadd.s32 s9, s4;
	s7 =	sadd.s32 s7, s8;
	s8 =	ssub.s32 s25, s10  }
0xf: {  	s14 =	sadd.s32 s28, s2;
	s31 =	sadd.s32 s30, s26;
	s25 =	simm.s32 $0x0  }
0x10: {  	s7 =	sshrl.u32 s7, $0x3;
	s6 =	sadd.s32 $0x79800, s6;
	s8 =	smax.u32 s8, $0x1  }
0x11: {  	s10 =	sshrl.u32 s31, $0x3;
	s13 =	sadd.s32 $0x50, s31;
	s7 =	sadd.s32 s7, s4  }
0x12: {  	s4 =	sadd.s32 $0x3E00, s9;
	s9 =	sadd.s32 s10, s11;
	s13 =	sshrl.u32 s13, $0x3  }
0x13: {  	s10 =	sadd.s32 s10, s12;
	s7 =	sadd.s32 $0xC7A00, s7;
	s11 =	sadd.s32 s13, s11  }
0x14: {  	s12 =	sadd.s32 s13, s12;
	s13 =	sshrl.u32 s14, $0x3;
	s14 =	simm.s32 $0x5  }
.LBB2_1:
0x15: {  	[spmem:s13], [sflag:s5] =	dma.local [hbm:s4], $0x2780  }
0x16: {  	_ =	swait.ge [sflag:s14], $0x2780  }
0x17: {  	[sflag:s14] =	ssyncset.done $0x0  }
0x18: {  	[sflag:s14] =	ssyncadd.s32 $0xFFFFD880  }
0x19: {  	s26 =	sadd.s32 $0x0, s10;
	[bflag:$0x0] =	sbarrier.arrive $0xFFFF  }
0x1a: {  	[tilespmem:s3], [sflag:$0x3] =	stream.linear.gather [hbm4b:s26+s3], $0x50, $0x38;
	[tilespmem:$0x18E00] =	vst v63  }
0x1b: {  	s28 =	sadd.s32 $0x0, s9  }
0x1c: {  	[tilespmem:s15], [sflag:$0x3] =	stream.linear.gather [hbm4b:s28+s3], $0x50, $0x38;
	[tilespmem:$0x18E00] =	vst v63  }
0x1d: {  	s30 =	sadd.s32 $0x0, s12  }
0x1e: {  	[tilespmem:s16], [sflag:$0x4] =	stream.linear.gather [hbm4b:s30+s3], $0x50, $0x38;
	[tilespmem:$0x18E00] =	vst v63  }
0x1f: {  	s31 =	sadd.s32 $0x0, s11  }
0x20: {  	[tilespmem:s17], [sflag:$0x4] =	stream.linear.gather [hbm4b:s31+s3], $0x50, $0x38;
	[tilespmem:$0x18E00] =	vst v63  }
0x21: {  	_ =	swait.ge [sflag:s18], $0x50  }
0x22: {  	[sflag:s18] =	ssyncset.done $0x0  }
0x23: {  	[sflag:s18] =	ssyncadd.s32 $0xFFFFFFB0  }
0x24: {  	[tilespmem:s20], [sflag:$0x1] =	stream.indirect.gather [hbm4b:s6+s19], $0x80, s3, s19, $0xb8;
	[tilespmem:$0x18E00] =	vst v63  }
0x25: {  	_ =	swait.ge [sflag:s21], $0x50  }
0x26: {  	[sflag:s21] =	ssyncset.done $0x0  }
0x27: {  	[sflag:s21] =	ssyncadd.s32 $0xFFFFFFB0  }
0x28: {  	[tilespmem:s22], [sflag:$0x2] =	stream.indirect.gather [hbm4b:s6+s19], $0x80, s16, s19, $0xb8;
	[tilespmem:$0x18E00] =	vst v63  }
0x29: {  	_ =	swait.ge [sflag:s23], $0x2800  }
0x2a: {  	[sflag:s23] =	ssyncset.done $0x0  }
0x2b: {  	[sflag:s23] =	ssyncadd.s32 $0xFFFFD800  }
0x2c: {  	_ =	swait.ge [sflag:s18], $0x50  }
0x2d: {  	[sflag:s18] =	ssyncset.done $0x0  }
0x2e: {  	[sflag:s18] =	ssyncadd.s32 $0xFFFFFFB0  }
0x2f: {  	[spmem:s2] =	stream.indirect.scatter.add.f32 [tilespmem:s20], [sflag:$0x5], $0x80, s15, s19, $0xb8;
	[tilespmem:$0x18E00] =	vst v63  }
0x30: {  	_ =	swait.ge [sflag:s14], $0x2800  }
0x31: {  	[sflag:s14] =	ssyncset.done $0x0  }
0x32: {  	[sflag:s14] =	ssyncadd.s32 $0xFFFFD800  }
0x33: {  	_ =	swait.ge [sflag:s24], $0x2800  }
0x34: {  	[sflag:s24] =	ssyncset.done $0x0  }
0x35: {  	[sflag:s24] =	ssyncadd.s32 $0xFFFFD800  }
0x36: {  	_ =	swait.ge [sflag:s21], $0x50  }
0x37: {  	[sflag:s21] =	ssyncset.done $0x0  }
0x38: {  	[sflag:s21] =	ssyncadd.s32 $0xFFFFFFB0  }
0x39: {  	[spmem:s2] =	stream.indirect.scatter.add.f32 [tilespmem:s22], [sflag:$0x5], $0x80, s17, s19, $0xb8;
	[tilespmem:$0x18E00] =	vst v63  }
0x3a: {  	_ =	swait.ge [sflag:s14], $0x2800  }
0x3b: {  	s29 =	simm.s32 $0x28;
	s26 =	simm.s32 $0x14;
	[sflag:s14] =	ssyncset.done $0x0  }
.LBB2_2:
0x3c: {  	s30 =	sadd.s32 s26, s10  }
0x3d: {  	[sflag:s14] =	ssyncadd.s32 $0xFFFFD800;
	s31 =	smov.u32 s29;
	s28 =	sadd.s32 $0x14, s29  }
0x3e: {  	[tilespmem:s3], [sflag:$0x3] =	stream.linear.gather [hbm4b:s30+s3], $0x50, $0x38;
	[tilespmem:$0x18E00] =	vst v63  }
0x3f: {  	p0 =	sne.s32 s29, $0x9B0;
	s29 =	sadd.s32 s26, s9  }
0x40: {  	[tilespmem:s15], [sflag:$0x3] =	stream.linear.gather [hbm4b:s29+s3], $0x50, $0x38;
	[tilespmem:$0x18E00] =	vst v63  }
0x41: {  	s29 =	sadd.s32 s26, s12  }
0x42: {  	[tilespmem:s16], [sflag:$0x4] =	stream.linear.gather [hbm4b:s29+s3], $0x50, $0x38;
	[tilespmem:$0x18E00] =	vst v63  }
0x43: {  	s29 =	sadd.s32 s26, s11;
	s26 =	smov.u32 s31  }
0x44: {  	[tilespmem:s17], [sflag:$0x4] =	stream.linear.gather [hbm4b:s29+s3], $0x50, $0x38;
	[tilespmem:$0x18E00] =	vst v63  }
0x45: {  	_ =	swait.ge [sflag:s18], $0x50  }
0x46: {  	[sflag:s18] =	ssyncset.done $0x0  }
0x47: {  	[sflag:s18] =	ssyncadd.s32 $0xFFFFFFB0  }
0x48: {  	[tilespmem:s20], [sflag:$0x1] =	stream.indirect.gather [hbm4b:s6+s19], $0x80, s3, s19, $0xb8;
	[tilespmem:$0x18E00] =	vst v63  }
0x49: {  	_ =	swait.ge [sflag:s21], $0x50  }
0x4a: {  	[sflag:s21] =	ssyncset.done $0x0  }
0x4b: {  	[sflag:s21] =	ssyncadd.s32 $0xFFFFFFB0  }
0x4c: {  	[tilespmem:s22], [sflag:$0x2] =	stream.indirect.gather [hbm4b:s6+s19], $0x80, s16, s19, $0xb8;
	[tilespmem:$0x18E00] =	vst v63  }
0x4d: {  	_ =	swait.ge [sflag:s23], $0x2800  }
0x4e: {  	[sflag:s23] =	ssyncset.done $0x0  }
0x4f: {  	[sflag:s23] =	ssyncadd.s32 $0xFFFFD800  }
0x50: {  	_ =	swait.ge [sflag:s18], $0x50  }
0x51: {  	[sflag:s18] =	ssyncset.done $0x0  }
0x52: {  	[sflag:s18] =	ssyncadd.s32 $0xFFFFFFB0  }
0x53: {  	[spmem:s2] =	stream.indirect.scatter.add.f32 [tilespmem:s20], [sflag:$0x5], $0x80, s15, s19, $0xb8;
	[tilespmem:$0x18E00] =	vst v63  }
0x54: {  	_ =	swait.ge [sflag:s14], $0x2800  }
0x55: {  	[sflag:s14] =	ssyncset.done $0x0  }
0x56: {  	[sflag:s14] =	ssyncadd.s32 $0xFFFFD800  }
0x57: {  	_ =	swait.ge [sflag:s24], $0x2800  }
0x58: {  	[sflag:s24] =	ssyncset.done $0x0  }
0x59: {  	[sflag:s24] =	ssyncadd.s32 $0xFFFFD800  }
0x5a: {  	_ =	swait.ge [sflag:s21], $0x50  }
.Ltmp0:
0x5b: {  	[sflag:s21] =	ssyncset.done $0x0;
	(pc) =	sbr.rel @p0 .LBB2_2-.Ltmp0, $4  }
0x5c: {  	[sflag:s21] =	ssyncadd.s32 $0xFFFFFFB0  }
0x5d: {  	[spmem:s2] =	stream.indirect.scatter.add.f32 [tilespmem:s22], [sflag:$0x5], $0x80, s17, s19, $0xb8;
	[tilespmem:$0x18E00] =	vst v63  }
0x5e: {  	_ =	swait.ge [sflag:s14], $0x2800  }
0x5f: {  	s29 =	smov.u32 s28;
	[sflag:s14] =	ssyncset.done $0x0  }
0x60: {  	s28 =	sadd.s32 s26, s10;
	[sflag:s14] =	ssyncadd.s32 $0xFFFFD800  }
0x61: {  	[tilespmem:s3], [sflag:$0x3] =	stream.linear.gather [hbm4b:s28+s3], $0x50, $0x38;
	[tilespmem:$0x18E00] =	vst v63  }
0x62: {  	s29 =	sadd.s32 s26, s9  }
0x63: {  	[tilespmem:s15], [sflag:$0x3] =	stream.linear.gather [hbm4b:s29+s3], $0x50, $0x38;
	[tilespmem:$0x18E00] =	vst v63  }
0x64: {  	s30 =	sadd.s32 s26, s12  }
0x65: {  	[tilespmem:s16], [sflag:$0x4] =	stream.linear.gather [hbm4b:s30+s3], $0x50, $0x38;
	[tilespmem:$0x18E00] =	vst v63  }
0x66: {  	s31 =	sadd.s32 s26, s11  }
0x67: {  	[tilespmem:s17], [sflag:$0x4] =	stream.linear.gather [hbm4b:s31+s3], $0x50, $0x38;
	[tilespmem:$0x18E00] =	vst v63  }
0x68: {  	_ =	swait.ge [sflag:s18], $0x50  }
0x69: {  	[sflag:s18] =	ssyncset.done $0x0  }
0x6a: {  	[sflag:s18] =	ssyncadd.s32 $0xFFFFFFB0  }
0x6b: {  	[tilespmem:s20], [sflag:$0x1] =	stream.indirect.gather [hbm4b:s6+s19], $0x80, s3, s19, $0xb8;
	[tilespmem:$0x18E00] =	vst v63  }
0x6c: {  	_ =	swait.ge [sflag:s21], $0x50  }
0x6d: {  	[sflag:s21] =	ssyncset.done $0x0  }
0x6e: {  	[sflag:s21] =	ssyncadd.s32 $0xFFFFFFB0  }
0x6f: {  	[tilespmem:s22], [sflag:$0x2] =	stream.indirect.gather [hbm4b:s6+s19], $0x80, s16, s19, $0xb8;
	[tilespmem:$0x18E00] =	vst v63  }
0x70: {  	_ =	swait.ge [sflag:s23], $0x2800  }
0x71: {  	[sflag:s23] =	ssyncset.done $0x0  }
0x72: {  	[sflag:s23] =	ssyncadd.s32 $0xFFFFD800  }
0x73: {  	_ =	swait.ge [sflag:s18], $0x50  }
0x74: {  	[sflag:s18] =	ssyncset.done $0x0  }
0x75: {  	[sflag:s18] =	ssyncadd.s32 $0xFFFFFFB0  }
0x76: {  	[spmem:s2] =	stream.indirect.scatter.add.f32 [tilespmem:s20], [sflag:$0x5], $0x80, s15, s19, $0xb8;
	[tilespmem:$0x18E00] =	vst v63  }
0x77: {  	_ =	swait.ge [sflag:s14], $0x2800  }
0x78: {  	[sflag:s14] =	ssyncset.done $0x0  }
0x79: {  	[sflag:s14] =	ssyncadd.s32 $0xFFFFD800  }
0x7a: {  	_ =	swait.ge [sflag:s24], $0x2800  }
0x7b: {  	[sflag:s24] =	ssyncset.done $0x0  }
0x7c: {  	[sflag:s24] =	ssyncadd.s32 $0xFFFFD800  }
0x7d: {  	_ =	swait.ge [sflag:s21], $0x50  }
0x7e: {  	[sflag:s21] =	ssyncset.done $0x0  }
0x7f: {  	[sflag:s21] =	ssyncadd.s32 $0xFFFFFFB0  }
0x80: {  	[spmem:s2] =	stream.indirect.scatter.add.f32 [tilespmem:s22], [sflag:$0x5], $0x80, s17, s19, $0xb8;
	[tilespmem:$0x18E00] =	vst v63  }
0x81: {  	_ =	swait.ge [sflag:s14], $0x2800  }
0x82: {  	s25 =	sadd.s32 $0x1, s25;
	[sflag:s14] =	ssyncset.done $0x0  }
0x83: {  	p0 =	sne.s32 s25, s8;
	[sflag:s14] =	ssyncadd.s32 $0xFFFFD800  }
.Ltmp1:
0x84: {  	[bflag:$0x0] =	sbarrier.arrive $0xFFFF;
	(pc) =	sbr.rel @p0 .LBB2_1-.Ltmp1, $4  }
0x85: {  	[hbm:s7], [sflag:s5] =	dma.local [spmem:s13], $0x2780  }
0x86: {  	_ =	swait.ge [sflag:s14], $0x2780  }
0x87: {  	[sflag:s14] =	ssyncset.done $0x0  }
0x88: {  	[sflag:s14] =	ssyncadd.s32 $0xFFFFD880  }
0x89: {  	_ =	sfence.sel $0x180000  }
0x8a: {  	[bflag:$0x0] =	sbarrier.arrive $0xFFFF  }
0x8b: {  	p0 =	sne.s32 s1, $0x0;
	_ =	strace $0x9000004D  }
0x8c: {  	s0 =	sadd.s32 @!p0 $0x100000, s0;
	[bflag:$0x2] =	sbarrier.arrive $0xFFFF  }
0x8d: {  	[sflag:s0] =	ssyncadd.tile.s32 @!p0 $0x1;
	_ =	shalt  }
.Lfunc_end2:
_tile_overlayer_lowered:
.L_overlay_start_2:
0x8e: {  	(tag) =	ssettag $0x2  }
0x8f: {  	s0 =	rddreg [dreg:$0x0];
	s2 =	stileid.u32  }
0x90: {  	s1 =	rddreg [dreg:$0x1];
	p0 =	sne.s32 s2, $0x0  }
0x91: {  	s3 =	rddreg [dreg:$0x2];
	[bflag:$0x3] =	sbarrier.arrive $0xFFFF;
	s2 =	simm.s32 @!p0 $0x1C05  }
0x92: {  	[timem:s3], [sflag:s2] =	dma.local @!p0 [hbm:s0], s1  }
0x93: {  	s0 =	simm.s32 @!p0 $0x5  }
0x94: {  	_ =	swait.ge @!p0 [sflag:s0], s1  }
0x95: {  	s1 =	ssub.s32 @!p0 $0x0, s1;
	[sflag:s0] =	ssyncset.done @!p0 $0x0  }
0x96: {  	[sflag:s0] =	ssyncadd.s32 @!p0 s1  }
0x97: {  	[bflag:$0x3] =	sbarrier.arrive $0xFFFF  }
0x98: {  	_ =	shalt  }

// kernel: kernel.8.cloned.1.call-start
scs
__scs_entry_jumppad:
0x0: {  	(pc) =	sbr.rel $0x88, $3  }
0x1: {  	(tag) =	ssettag $0x0;
	lr =	simm.s32 $0x1  }
0x2: {  	[smem:$0x3F88] =	sst lr;
	_ =	strace $0xD0000000  }
0x3: {  	_ = 	snop  }
0x4: {  	_ = 	snop  }
0x5: {  	_ = 	snop  }
0x6: {  	_ = 	snop  }
0x7: {  	_ = 	snop  }
__scs_overlays_trampoline_lowered:
0x8: {  	[smem:$0x3F97] =	sst s0  }
0x9: {  	[smem:$0x3F98] =	sst s1  }
0xa: {  	[smem:$0x3F99] =	sst s2  }
0xb: {  	[smem:$0x3F9A] =	sst s3  }
0xc: {  	[smem:$0x3F9B] =	sst s4  }
0xd: {  	[smem:$0x3F9C] =	sst s5  }
0xe: {  	[smem:$0x3F9D] =	sst s6  }
0xf: {  	[smem:$0x3F9E] =	sst s7  }
0x10: {  	[smem:$0x3F9F] =	sst s8  }
0x11: {  	[smem:$0x3FA0] =	sst s9;
	s0 =	simm.s32 @!p0 $0x0  }
0x12: {  	s1 =	sld [smem:$0x3F86];
	s0 =	simm.s32 @p0 $0x1  }
0x13: {  	[smem:$0x3FA1] =	sst s0;
	s0 =	simm.s32 @!p1 $0x0  }
0x14: {  	s2 =	sld [smem:$0x3F85];
	s0 =	simm.s32 @p1 $0x1  }
0x15: {  	[smem:$0x3FA2] =	sst s0;
	s0 =	simm.s32 @!p2 $0x0  }
0x16: {  	s3 =	sld [smem:$0x3FDB];
	s0 =	simm.s32 @p2 $0x1  }
0x17: {  	s4 =	simm.s32 $0x1BF5;
	[smem:$0x3FA4] =	sst s0  }
0x18: {  	s0 =	sld [smem:$0x3F87];
	_ =	swait.ge [sflag:s4], $0x0  }
0x19: {  	s7 =	sld [smem:$0x3F88]  }
0x1a: {  	s8 =	sadd.s32 $0xFFFFE003, lr  }
0x1b: {  	s9 =	sadd.s32 $0xFFFFFEF7, lr;
	s5 =	simm.s32 $0xFFFFFFFF;
	p2 =	slt.u32 s8, $0xFFFFF086  }
0x1c: {  	p1 =	slt.u32 s9, $0xF7A;
	s5 =	simm.s32 @!p2 $0x0  }
0x1d: {  	s5 =	simm.s32 @p1 $0x1;
	p0 =	seq.s32 s7, s2  }
0x1e: {  	s7 =	smul.u32 @!p0 $0xF7A, s2;
	p2 =	seq.s32 @!p0 s5, $0x0  }
0x1f: {  	s9 =	smul.u32 $0xF7A, s1;
	s8 =	simm.s32 @!p0 $0x1BF5;
	p2 =	por !p2, p0  }
0x20: {  	[sflag:s8] =	ssyncset.s32 @!p0 $0xFFFFF086;
	s6 =	sadd.s32 @!p0 s3, s7;
	s7 =	simm.s32 @!p0 $0x108  }
0x21: {  	s3 =	sadd.s32 s3, s9;
	s6 =	sadd.s32 @!p0 $0x88, s6;
	s7 =	simm.s32 @p2 $0x1082  }
0x22: {  	[simem:s7], [sflag:s8] =	dma.local @!p0 [hbm:s6], $0xF7A  }
0x23: {  	s9 =	sor.u32 $0xD0000000, s2;
	s6 =	simm.s32 $0x108;
	_ =	swait.ge @!p0 [sflag:s8], $0x0  }
0x24: {  	s3 =	sadd.s32 $0x88, s3;
	s6 =	simm.s32 @!p1 $0x1082;
	[sflag:s4] =	ssyncset.s32 $0xFFFFF086  }
0x25: {  	[simem:s6], [sflag:s4] =	dma.local [hbm:s3], $0xF7A  }
0x26: {  	[smem:$0x3F88] =	sst s1;
	(tag) =	ssettag s2;
	_ =	strace s9  }
0x27: {  	s1 =	sld [smem:$0x3F98]  }
0x28: {  	s2 =	sld [smem:$0x3F99]  }
0x29: {  	s4 =	sld [smem:$0x3F9B]  }
0x2a: {  	p0 =	seq.s32 s5, $0x0;
	s5 =	sld [smem:$0x3F9C]  }
0x2b: {  	s6 =	sld [smem:$0x3F9D]  }
0x2c: {  	s7 =	sld [smem:$0x3F9E]  }
0x2d: {  	s3 =	simm.s32 $0x108;
	s8 =	sld [smem:$0x3F9F]  }
0x2e: {  	s3 =	simm.s32 @!p0 $0x1082;
	s9 =	sld [smem:$0x3FA0]  }
0x2f: {  	lr =	sadd.s32 s0, s3;
	s0 =	sld [smem:$0x3F97]  }
0x30: {  	s3 =	sld [smem:$0x3F9A]  }
0x31: {  	[smem:$0x3FA3] =	sst s10  }
0x32: {  	s10 =	sld [smem:$0x3FA1];
	_ =	sdelay $0x3  }
0x33: {  	p0 =	seq.s32 s10, $0x1;
	s10 =	sld [smem:$0x3FA3];
	_ =	sdelay $0x3  }
0x34: {  	[smem:$0x3FA3] =	sst s10  }
0x35: {  	s10 =	sld [smem:$0x3FA2];
	_ =	sdelay $0x3  }
0x36: {  	p1 =	seq.s32 s10, $0x1;
	s10 =	sld [smem:$0x3FA3];
	_ =	sdelay $0x3  }
0x37: {  	[smem:$0x3FA3] =	sst s10  }
0x38: {  	s10 =	sld [smem:$0x3FA4]  }
0x39: {  	_ = 	snop;
	(pc) =	sbr.ind lr, $3  }
0x3a: {  	_ = 	snop  }
0x3b: {  	_ = 	snop  }
0x3c: {  	p2 =	seq.s32 s10, $0x1;
	s10 =	sld [smem:$0x3FA3]  }
0x3d: {  	_ =	shalt  }
0x3e: {  	_ =	shalt  }
0x3f: {  	_ =	shalt  }
0x40: {  	_ =	shalt  }
0x41: {  	_ =	shalt  }
0x42: {  	_ =	shalt  }
0x43: {  	_ =	shalt  }
0x44: {  	_ =	shalt  }
0x45: {  	_ =	shalt  }
0x46: {  	_ =	shalt  }
0x47: {  	_ =	shalt  }
0x48: {  	_ =	shalt  }
0x49: {  	_ =	shalt  }
0x4a: {  	_ =	shalt  }
0x4b: {  	_ =	shalt  }
0x4c: {  	_ =	shalt  }
0x4d: {  	_ =	shalt  }
0x4e: {  	_ =	shalt  }
0x4f: {  	_ =	shalt  }
0x50: {  	_ =	shalt  }
0x51: {  	_ =	shalt  }
0x52: {  	_ =	shalt  }
0x53: {  	_ =	shalt  }
0x54: {  	_ =	shalt  }
0x55: {  	_ =	shalt  }
0x56: {  	_ =	shalt  }
0x57: {  	_ =	shalt  }
0x58: {  	_ =	shalt  }
0x59: {  	_ =	shalt  }
0x5a: {  	_ =	shalt  }
0x5b: {  	_ =	shalt  }
0x5c: {  	_ =	shalt  }
0x5d: {  	_ =	shalt  }
0x5e: {  	_ =	shalt  }
0x5f: {  	_ =	shalt  }
0x60: {  	_ =	shalt  }
0x61: {  	_ =	shalt  }
0x62: {  	_ =	shalt  }
0x63: {  	_ =	shalt  }
0x64: {  	_ =	shalt  }
0x65: {  	_ =	shalt  }
0x66: {  	_ =	shalt  }
0x67: {  	_ =	shalt  }
0x68: {  	_ =	shalt  }
0x69: {  	_ =	shalt  }
0x6a: {  	_ =	shalt  }
0x6b: {  	_ =	shalt  }
0x6c: {  	_ =	shalt  }
0x6d: {  	_ =	shalt  }
0x6e: {  	_ =	shalt  }
0x6f: {  	_ =	shalt  }
0x70: {  	_ =	shalt  }
0x71: {  	_ =	shalt  }
0x72: {  	_ =	shalt  }
0x73: {  	_ =	shalt  }
0x74: {  	_ =	shalt  }
0x75: {  	_ =	shalt  }
0x76: {  	_ =	shalt  }
0x77: {  	_ =	shalt  }
0x78: {  	_ =	shalt  }
0x79: {  	_ =	shalt  }
0x7a: {  	_ =	shalt  }
0x7b: {  	_ =	shalt  }
0x7c: {  	_ =	shalt  }
0x7d: {  	_ =	shalt  }
0x7e: {  	_ =	shalt  }
0x7f: {  	_ =	shalt  }
0x80: {  	_ =	shalt  }
0x81: {  	_ =	shalt  }
0x82: {  	_ =	shalt  }
0x83: {  	_ =	shalt  }
0x84: {  	_ =	shalt  }
0x85: {  	_ =	shalt  }
0x86: {  	_ =	shalt  }
0x87: {  	_ =	shalt  }
.Lfunc_end0:
.L_simem_size_0:
called_computation_lowered:
.L_overlay_start_0:
0x88: {  	s2 =	sld [smem:$0x3FD9]  }
0x89: {  	s3 =	sld [smem:$0x3FFE];
	_ =	sdelay $0x1  }
0x8a: {  	s1 =	srdreg.scid  }
0x8b: {  	s0 =	sand.u32 $0x1, s1  }
0x8c: {  	s14 =	sshll.u32 s0, $0xA;
	s2 =	sadd.s32 s3, s2  }
0x8d: {  	s2 =	sadd.s32 s2, s14  }
0x8e: {  	[smem:$0x3FAF] =	sst s2  }
0x8f: {  	_ = 	snop  }
0x90: {  	s2 =	sld [smem:$0x3FD0];
	_ =	sdelay $0x2  }
0x91: {  	s15 =	simm.s32 $0xB;
	s4 =	simm.s32 $0x10  }
0x92: {  	[smem:s4], [sflag:s15] =	dma.local [hbm:s2], $0x1  }
0x93: {  	_ =	swait.eq [sflag:s15], $0x1  }
0x94: {  	[sflag:s15] =	ssyncset.done $0x0  }
0x95: {  	[sflag:s15] =	ssyncadd.s32 $0xFFFFFFFF  }
0x96: {  	s16 =	sld [smem:$0x11];
	(tm) =	ssettm $0x1  }
0x97: {  	s17 =	sld [smem:$0x3FFB];
	_ =	sdelay $0x3  }
0x98: {  	_ =	strace s17  }
0x99: {  	s3 =	sld [smem:$0x3FFC];
	_ =	sdelay $0x3  }
0x9a: {  	_ =	strace s3  }
0x9b: {  	s3 =	sld [smem:$0x3FFD];
	_ =	sdelay $0x3  }
0x9c: {  	_ =	strace s3  }
0x9d: {  	_ =	strace $0x8FFFFFFF  }
0x9e: {  	s18 =	sld [smem:$0x3FDB];
	_ =	sdelay $0x1  }
0x9f: {  	s19 =	simm.s32 $_scs_section_size  }
0xa0: {  	s5 =	simm.s32 $_size__tile_overlayer_lowered;
	s6 =	simm.s32 $_tile_overlayer_lowered  }
0xa1: {  	s22 =	simm.s32 $0x1BFF;
	s21 =	sshll.u32 s6, $0x1;
	s3 =	sadd.s32 s19, s18  }
0xa2: {  	s7 =	simm.s32 $0x0;
	s20 =	sshll.u32 s5, $0x1;
	s5 =	sadd.s32 s21, s3  }
0xa3: {  	[timem:s7], [sflag:s22] =	dma.local [hbm:s5], s20  }
0xa4: {  	_ =	swait.ge [sflag:s22], s20  }
0xa5: {  	s4 =	ssub.s32 $0x0, s20;
	[sflag:s22] =	ssyncset.done $0x0  }
0xa6: {  	[sflag:s22] =	ssyncadd.s32 s4;
	_ =	sdelay $0x1  }
0xa7: {  	s23 =	simm.s32 $0x1B8B  }
0xa8: {  	_ =	swait.ge [sflag:s23], $0x1  }
0xa9: {  	[sflag:s23] =	ssyncset.done $0x0  }
0xaa: {  	s25 =	simm.s32 $0x1B8E;
	s24 =	sld [smem:$0x3FFE];
	[sflag:s23] =	ssyncadd.s32 $0xFFFFFFFF  }
0xab: {  	s26 =	simm.s32 $execute0_lowered;
	[smem:$0x3FD2] =	sst s25  }
0xac: {  	s5 =	sshll.u32 s26, $0x1;
	_ =	strace $0x80000046;
	[dreg:$0x1] =	wrdreg $0xFFFFFFFF  }
0xad: {  	s28 =	simm.s32 $_size_execute0_lowered;
	s3 =	sadd.s32 s3, s5;
	[dreg:$0x0] =	wrdreg $0x0  }
0xae: {  	s5 =	sshll.u32 s28, $0x1;
	[dreg:$0x2] =	wrdreg s3  }
0xaf: {  	[dreg:$0x3] =	wrdreg s5  }
0xb0: {  	[dreg:$0x4] =	wrdreg $0xC0  }
0xb1: {  	_ =	task [dreg:s7], $0x5FFFF  }
0xb2: {  	[dreg:$0x1] =	wrdreg $0xFFFFFFFF  }
0xb3: {  	[dreg:$0x0] =	wrdreg $0x60  }
0xb4: {  	[dreg:$0x2] =	wrdreg s16  }
0xb5: {  	[dreg:$0x3] =	wrdreg s24  }
0xb6: {  	[dreg:$0x4] =	wrdreg $0x29000  }
0xb7: {  	[dreg:$0x5] =	wrdreg $0x9  }
0xb8: {  	_ =	task.clear_ibuf [dreg:s7], $0x6FFFF;
	_ =	strace $0x90000046  }
0xb9: {  	s29 =	simm.s32 $0x9;
	_ =	strace $0x80000048  }
0xba: {  	_ =	swait.ge [sflag:s29], $0x1  }
0xbb: {  	[sflag:s29] =	ssyncadd.s32 $0xFFFFFFFF  }
0xbc: {  	_ =	strace $0x90000048  }
0xbd: {  	_ =	sfence  }
0xbe: {  	s30 =	sld [smem:$0x0];
	_ =	sdelay $0x2  }
0xbf: {  	s31 =	sshll.u32 s1, $0xD;
	s1 =	sshrl.u32 s1, $0x2  }
0xc0: {  	s3 =	sand.u32 $0x4000, s31;
	s1 =	sadd.s32 s1, s30  }
0xc1: {  	s0 =	sor.u32 s3, s0;
	s1 =	sshll.u32 s1, $0x11  }
0xc2: {  	s0 =	sor.u32 s1, s0  }
0xc3: {  	s0 =	sadd.s32 $0x8F2B, s0  }
0xc4: {  	[sflag:s0] =	ssyncadd.remote.s32 $0x1  }
0xc5: {  	_ =	sfence.sel $0xFFFF  }
0xc6: {  	[dreg:$0x0] =	wrdreg $0xFFFFFFFF;
	(pc) =	sbr.abs _section_cstart, $3  }
0xc7: {  	[dreg:$0x1] =	wrdreg $0xFFFFFFFF  }
0xc8: {  	_ =	task.clear_ibuf [dreg:s7], $0x2FFFF;
	_ =	strace $0x9FFFFFFF  }
0xc9: {  	(tm) =	ssettm $0x7FFFFFFF  }
tec
execute0_lowered:
.L_overlay_start_1:
0x0: {  	(tag) =	ssettag $0x1  }
0x1: {  	s10 =	rddreg [dreg:$0x0]  }
0x2: {  	s5 =	rddreg [dreg:$0x1];
	s0 =	stileid.u32  }
0x3: {  	s1 =	srdreg.scid;
	s2 =	rddreg [dreg:$0x2];
	s3 =	simm.s32 $0x0  }
0x4: {  	s15 =	simm.s32 $0x1;
	s16 =	simm.s32 $0x50;
	s4 =	smul.u32 $0x13C00, s0  }
0x5: {  	s17 =	simm.s32 $0x2;
	s18 =	simm.s32 $0x0;
	s9 =	smul.u32 $0x4F000, s0  }
0x6: {  	s6 =	sand.u32 $0x1, s1;
	s1 =	rddreg [dreg:$0x3];
	s12 =	smul.u32 $0x4E20, s0  }
0x7: {  	[smem:$0x7FF] =	sst s3;
	s29 =	sshll.u32 s0, $0x6;
	s7 =	smul.u32 $0x13C000, s6  }
0x8: {  	_ =	strace $0x80000047;
	s26 =	ssub.s32 $0x2, s6;
	s11 =	smul.u32 $0x4E200, s6  }
0x9: {  	s6 =	sor.u32 $0x1C03, s29;
	s8 =	sshrl.u32 s4, $0x3;
	s28 =	sshrl.u32 s26, $0x1  }
0xa: {  	s9 =	sshrl.u32 s9, $0x2;
	s8 =	sadd.s32 s8, s5;
	s7 =	sadd.s32 s4, s7  }
0xb: {  	s4 =	sadd.s32 $0x2B600, s5;
	s13 =	ssub.s32 s26, s28;
	s14 =	sadd.s32 s9, s2  }
0xc: {  	s30 =	sadd.s32 s12, s11;
	s12 =	simm.s32 $0x3;
	s7 =	sshrl.u32 s7, $0x3  }
0xd: {  	s31 =	sshrl.u32 s30, $0x3;
	s11 =	sadd.s32 $0x50, s30;
	s7 =	sadd.s32 s7, s5  }
0xe: {  	s5 =	sadd.s32 $0x3E00, s8;
	s8 =	smax.u32 s13, $0x1;
	s9 =	sadd.s32 s31, s10  }
0xf: {  	s11 =	sshrl.u32 s11, $0x3;
	s13 =	simm.s32 $0x100;
	s7 =	sadd.s32 $0x2BC00, s7  }
0x10: {  	s10 =	sadd.s32 s11, s10;
	s11 =	sshrl.u32 s14, $0x3;
	s14 =	simm.s32 $0x80  }
.LBB2_1:
0x11: {  	[spmem:s11], [sflag:s6] =	dma.local [hbm:s5], $0x2780  }
0x12: {  	_ =	swait.ge [sflag:s12], $0x2780  }
0x13: {  	[sflag:s12] =	ssyncset.done $0x0  }
0x14: {  	[sflag:s12] =	ssyncadd.s32 $0xFFFFD880  }
0x15: {  	[tilespmem:s13], [sflag:$0x3] =	stream.linear.gather [hbm4b:s4+s3], $0x2800, $0x38;
	[tilespmem:$0x16500] =	vst v63  }
0x16: {  	_ =	swait.ge [sflag:s12], $0x2800  }
0x17: {  	[sflag:s12] =	ssyncset.done $0x0  }
0x18: {  	[sflag:s12] =	ssyncadd.s32 $0xFFFFD800  }
0x19: {  	s19 =	sadd.s32 $0x0, s9;
	[bflag:$0x0] =	sbarrier.arrive $0xFFFF  }
0x1a: {  	[tilespmem:s3], [sflag:$0x1] =	stream.linear.gather [hbm4b:s19+s3], $0x50, $0x38;
	[tilespmem:$0x16500] =	vst v63  }
0x1b: {  	s31 =	sadd.s32 $0x0, s10  }
0x1c: {  	[tilespmem:s14], [sflag:$0x2] =	stream.linear.gather [hbm4b:s31+s3], $0x50, $0x38;
	[tilespmem:$0x16500] =	vst v63  }
0x1d: {  	_ =	swait.ge [sflag:s15], $0x50  }
0x1e: {  	[sflag:s15] =	ssyncset.done $0x0  }
0x1f: {  	[sflag:s15] =	ssyncadd.s32 $0xFFFFFFB0  }
0x20: {  	[spmem:s2] =	stream.indirect.scatter.add.f32 [tilespmem:s13], [sflag:$0x3], $0x80, s3, s16, $0xb8;
	[tilespmem:$0x16500] =	vst v63  }
0x21: {  	_ =	swait.ge [sflag:s12], $0x2800  }
0x22: {  	[sflag:s12] =	ssyncset.done $0x0  }
0x23: {  	[sflag:s12] =	ssyncadd.s32 $0xFFFFD800  }
0x24: {  	_ =	swait.ge [sflag:s17], $0x50  }
0x25: {  	[sflag:s17] =	ssyncset.done $0x0  }
0x26: {  	[sflag:s17] =	ssyncadd.s32 $0xFFFFFFB0  }
0x27: {  	[spmem:s2] =	stream.indirect.scatter.add.f32 [tilespmem:s13], [sflag:$0x3], $0x80, s14, s16, $0xb8;
	[tilespmem:$0x16500] =	vst v63  }
0x28: {  	_ =	swait.ge [sflag:s12], $0x2800  }
0x29: {  	s20 =	simm.s32 $0x28;
	s19 =	simm.s32 $0x14;
	[sflag:s12] =	ssyncset.done $0x0  }
.LBB2_2:
0x2a: {  	s21 =	sadd.s32 s19, s9  }
0x2b: {  	[sflag:s12] =	ssyncadd.s32 $0xFFFFD800;
	s22 =	smov.u32 s20;
	s23 =	sadd.s32 $0x14, s20  }
0x2c: {  	[tilespmem:s3], [sflag:$0x1] =	stream.linear.gather [hbm4b:s21+s3], $0x50, $0x38;
	[tilespmem:$0x16500] =	vst v63  }
0x2d: {  	p0 =	sne.s32 s20, $0x9B0;
	s20 =	sadd.s32 s19, s10;
	s19 =	smov.u32 s22  }
0x2e: {  	[tilespmem:s14], [sflag:$0x2] =	stream.linear.gather [hbm4b:s20+s3], $0x50, $0x38;
	[tilespmem:$0x16500] =	vst v63  }
0x2f: {  	_ =	swait.ge [sflag:s15], $0x50  }
0x30: {  	[sflag:s15] =	ssyncset.done $0x0  }
0x31: {  	[sflag:s15] =	ssyncadd.s32 $0xFFFFFFB0  }
0x32: {  	[spmem:s2] =	stream.indirect.scatter.add.f32 [tilespmem:s13], [sflag:$0x3], $0x80, s3, s16, $0xb8;
	[tilespmem:$0x16500] =	vst v63  }
0x33: {  	_ =	swait.ge [sflag:s12], $0x2800  }
0x34: {  	[sflag:s12] =	ssyncset.done $0x0  }
0x35: {  	[sflag:s12] =	ssyncadd.s32 $0xFFFFD800  }
0x36: {  	_ =	swait.ge [sflag:s17], $0x50  }
.Ltmp0:
0x37: {  	[sflag:s17] =	ssyncset.done $0x0;
	(pc) =	sbr.rel @p0 .LBB2_2-.Ltmp0, $4  }
0x38: {  	[sflag:s17] =	ssyncadd.s32 $0xFFFFFFB0  }
0x39: {  	[spmem:s2] =	stream.indirect.scatter.add.f32 [tilespmem:s13], [sflag:$0x3], $0x80, s14, s16, $0xb8;
	[tilespmem:$0x16500] =	vst v63  }
0x3a: {  	_ =	swait.ge [sflag:s12], $0x2800  }
0x3b: {  	s20 =	smov.u32 s23;
	[sflag:s12] =	ssyncset.done $0x0  }
0x3c: {  	s20 =	sadd.s32 s19, s9;
	[sflag:s12] =	ssyncadd.s32 $0xFFFFD800  }
0x3d: {  	[tilespmem:s3], [sflag:$0x1] =	stream.linear.gather [hbm4b:s20+s3], $0x50, $0x38;
	[tilespmem:$0x16500] =	vst v63  }
0x3e: {  	s31 =	sadd.s32 s19, s10  }
0x3f: {  	[tilespmem:s14], [sflag:$0x2] =	stream.linear.gather [hbm4b:s31+s3], $0x50, $0x38;
	[tilespmem:$0x16500] =	vst v63  }
0x40: {  	_ =	swait.ge [sflag:s15], $0x50  }
0x41: {  	[sflag:s15] =	ssyncset.done $0x0  }
0x42: {  	[sflag:s15] =	ssyncadd.s32 $0xFFFFFFB0  }
0x43: {  	[spmem:s2] =	stream.indirect.scatter.add.f32 [tilespmem:s13], [sflag:$0x3], $0x80, s3, s16, $0xb8;
	[tilespmem:$0x16500] =	vst v63  }
0x44: {  	_ =	swait.ge [sflag:s12], $0x2800  }
0x45: {  	[sflag:s12] =	ssyncset.done $0x0  }
0x46: {  	[sflag:s12] =	ssyncadd.s32 $0xFFFFD800  }
0x47: {  	_ =	swait.ge [sflag:s17], $0x50  }
0x48: {  	[sflag:s17] =	ssyncset.done $0x0  }
0x49: {  	[sflag:s17] =	ssyncadd.s32 $0xFFFFFFB0  }
0x4a: {  	[spmem:s2] =	stream.indirect.scatter.add.f32 [tilespmem:s13], [sflag:$0x3], $0x80, s14, s16, $0xb8;
	[tilespmem:$0x16500] =	vst v63  }
0x4b: {  	_ =	swait.ge [sflag:s12], $0x2800  }
0x4c: {  	s18 =	sadd.s32 $0x1, s18;
	[sflag:s12] =	ssyncset.done $0x0  }
0x4d: {  	p0 =	sne.s32 s18, s8;
	[sflag:s12] =	ssyncadd.s32 $0xFFFFD800  }
.Ltmp1:
0x4e: {  	[bflag:$0x0] =	sbarrier.arrive $0xFFFF;
	(pc) =	sbr.rel @p0 .LBB2_1-.Ltmp1, $4  }
0x4f: {  	[hbm:s7], [sflag:s6] =	dma.local [spmem:s11], $0x2780  }
0x50: {  	_ =	swait.ge [sflag:s12], $0x2780  }
0x51: {  	[sflag:s12] =	ssyncset.done $0x0  }
0x52: {  	[sflag:s12] =	ssyncadd.s32 $0xFFFFD880  }
0x53: {  	_ =	sfence.sel $0x180000  }
0x54: {  	[bflag:$0x0] =	sbarrier.arrive $0xFFFF  }
0x55: {  	p0 =	sne.s32 s0, $0x0;
	_ =	strace $0x90000047  }
0x56: {  	s0 =	sadd.s32 @!p0 $0x100000, s1;
	[bflag:$0x2] =	sbarrier.arrive $0xFFFF  }
0x57: {  	[sflag:s0] =	ssyncadd.tile.s32 @!p0 $0x1;
	_ =	shalt  }
.Lfunc_end2:
_tile_overlayer_lowered:
.L_overlay_start_2:
0x58: {  	(tag) =	ssettag $0x2  }
0x59: {  	s0 =	rddreg [dreg:$0x0];
	s2 =	stileid.u32  }
0x5a: {  	s1 =	rddreg [dreg:$0x1];
	p0 =	sne.s32 s2, $0x0  }
0x5b: {  	s3 =	rddreg [dreg:$0x2];
	[bflag:$0x3] =	sbarrier.arrive $0xFFFF;
	s2 =	simm.s32 @!p0 $0x1C03  }
0x5c: {  	[timem:s3], [sflag:s2] =	dma.local @!p0 [hbm:s0], s1  }
0x5d: {  	s0 =	simm.s32 @!p0 $0x3  }
0x5e: {  	_ =	swait.ge @!p0 [sflag:s0], s1  }
0x5f: {  	s1 =	ssub.s32 @!p0 $0x0, s1;
	[sflag:s0] =	ssyncset.done @!p0 $0x0  }
0x60: {  	[sflag:s0] =	ssyncadd.s32 @!p0 s1  }
0x61: {  	[bflag:$0x3] =	sbarrier.arrive $0xFFFF  }
0x62: {  	_ =	shalt  }

</sc_bundles>
